<compile_context>
chip_gen: v7x
topology: tpu7x:2x2x1
jax: 0.10.2.dev20260603
libtpu: 0.0.44.dev20260713+nightly
codegen_flags: <defaults>
</compile_context>

<pallas_src>
import functools

import numpy as np

import jax
import jax.numpy as jnp
from jax import lax
from jax.experimental import pallas as pl
from jax.experimental.pallas import tpu as pltpu
from jax.experimental.pallas import tpu_sc as plsc

N_NODES = 10000
N_EDGES = 320000
D = 128

NC = 2
NS = 16
NW = NC * NS

NPAD = 10240
RPT = NPAD // NS
ROW = 128
ECH = N_EDGES // ROW
CPT = ECH // NW
NTAIL = ECH - CPT * NW
CHUNK = 64
NSUB = CPT * 2
NBUF = 4
BR = 2000

_Z_COL = np.zeros((RPT,), np.float32)
_ONES_ROW = np.ones((ROW,), np.float32)
_Z_ROWS = np.zeros((RPT, D), np.float32)


def _sc_degree(eq, zeros_col, ones_row):
    mesh = plsc.VectorSubcoreMesh(core_axis_name="c", subcore_axis_name="s")

    @functools.partial(
        pl.kernel,
        out_type=jax.ShapeDtypeStruct((NC, NPAD), jnp.float32),
        mesh=mesh,
        scratch_types=[
            pltpu.VMEM((CPT, 2, ROW), jnp.int32),
            pltpu.VMEM((2, ROW), jnp.int32),
            pltpu.VMEM((ROW,), jnp.float32),
            pltpu.SemaphoreType.DMA,
            pltpu.VMEM_SHARED((NPAD,), jnp.float32),
        ],
    )
    def deg_kernel(eq_hbm, z_hbm, one_hbm, out_hbm, eqpre, ebuf, ones_v, sem,
                   deg_sh):
        c = lax.axis_index("c")
        s = lax.axis_index("s")
        wid = c * NS + s
        pltpu.sync_copy(eq_hbm.at[pl.ds(wid * CPT, CPT)], eqpre)
        pltpu.sync_copy(z_hbm, deg_sh.at[pl.ds(s * RPT, RPT)])
        pltpu.sync_copy(one_hbm, ones_v)
        plsc.subcore_barrier()

        @pl.loop(0, CPT)
        def _(j):
            pltpu.async_copy(ones_v, deg_sh.at[eqpre.at[j, 1]], sem, add=True)

        @pl.loop(0, CPT)
        def _(j):
            pltpu.make_async_copy(ones_v, deg_sh.at[eqpre.at[j, 1]], sem).wait()

        @pl.when(wid < NTAIL)
        def _():
            pltpu.sync_copy(eq_hbm.at[NW * CPT + wid], ebuf)
            pltpu.sync_copy(ones_v, deg_sh.at[ebuf.at[1]], add=True)

        plsc.subcore_barrier()
        pltpu.sync_copy(deg_sh.at[pl.ds(s * RPT, RPT)],
                        out_hbm.at[c, pl.ds(s * RPT, RPT)])

    return deg_kernel(eq, zeros_col, ones_row)


def _sc_scatter(y, eq, zeros_rows):
    mesh = plsc.VectorSubcoreMesh(core_axis_name="c", subcore_axis_name="s")

    @functools.partial(
        pl.kernel,
        out_type=jax.ShapeDtypeStruct((NC, NPAD, D), jnp.float32),
        mesh=mesh,
        scratch_types=(
            [pltpu.VMEM((CPT, ROW), jnp.int32),
             pltpu.VMEM((2, ROW), jnp.int32)]
            + [pltpu.VMEM((2, ROW), jnp.int32) for _ in range(NBUF)]
            + [pltpu.VMEM((CHUNK, D), jnp.float32) for _ in range(NBUF)]
            + [pltpu.SemaphoreType.DMA for _ in range(3 * NBUF)]
            + [pltpu.VMEM_SHARED((NPAD, D), jnp.float32)]
        ),
    )
    def scatter_kernel(y_hbm, eq_hbm, z_hbm, out_hbm, spre, ebuf, *rest):
        dbuf = rest[:NBUF]
        rows = rest[NBUF:2 * NBUF]
        sg = rest[2 * NBUF:3 * NBUF]
        ss = rest[3 * NBUF:4 * NBUF]
        sd = rest[4 * NBUF:5 * NBUF]
        agg_sh = rest[5 * NBUF]
        c = lax.axis_index("c")
        s = lax.axis_index("s")
        wid = c * NS + s
        pltpu.sync_copy(eq_hbm.at[pl.ds(wid * CPT, CPT), 0], spre)
        pltpu.sync_copy(z_hbm, agg_sh.at[pl.ds(s * RPT, RPT)])
        plsc.subcore_barrier()

        def sidx(k):
            return spre.at[k // 2, pl.ds((k % 2) * CHUNK, CHUNK)]

        def didx(k, b):
            return dbuf[b].at[1, pl.ds((k % 2) * CHUNK, CHUNK)]

        def g_start(k, b):
            pltpu.async_copy(y_hbm.at[sidx(k)], rows[b], sg[b])

        def g_wait(k, b):
            pltpu.make_async_copy(y_hbm.at[sidx(k)], rows[b], sg[b]).wait()

        def d_start(k, b):
            pltpu.async_copy(eq_hbm.at[wid * CPT + k // 2], dbuf[b], sd[b])

        def d_wait(k, b):
            pltpu.make_async_copy(eq_hbm.at[wid * CPT + k // 2], dbuf[b],
                                  sd[b]).wait()

        def s_start(k, b):
            pltpu.async_copy(rows[b], agg_sh.at[didx(k, b)], ss[b], add=True)

        def s_wait(k, b):
            pltpu.make_async_copy(rows[b], agg_sh.at[didx(k, b)], ss[b]).wait()

        for b in range(NBUF):
            g_start(b, b)
            d_start(b, b)

        @pl.loop(0, NSUB // NBUF - 1)
        def _(i):
            k0 = i * NBUF
            for b in range(NBUF):
                g_wait(k0 + b, b)
                d_wait(k0 + b, b)
                s_start(k0 + b, b)
            for b in range(NBUF):
                s_wait(k0 + b, b)
                g_start(k0 + NBUF + b, b)
                d_start(k0 + NBUF + b, b)

        k0 = NSUB - NBUF
        for b in range(NBUF):
            g_wait(k0 + b, b)
            d_wait(k0 + b, b)
            s_start(k0 + b, b)
        for b in range(NBUF):
            s_wait(k0 + b, b)

        @pl.when(wid < NTAIL)
        def _():
            pltpu.sync_copy(eq_hbm.at[NW * CPT + wid], ebuf)
            for h in range(2):
                pltpu.sync_copy(y_hbm.at[ebuf.at[0, pl.ds(h * CHUNK, CHUNK)]],
                                rows[0])
                pltpu.sync_copy(rows[0],
                                agg_sh.at[ebuf.at[1, pl.ds(h * CHUNK, CHUNK)]],
                                add=True)

        plsc.subcore_barrier()
        pltpu.sync_copy(agg_sh.at[pl.ds(s * RPT, RPT)],
                        out_hbm.at[c, pl.ds(s * RPT, RPT)])

    return scatter_kernel(y, eq, zeros_rows)


def _dinv_col(deg_ref):
    dsum = deg_ref[:, 0:1] + deg_ref[:, 1:2] + 1.0
    return lax.rsqrt(dsum)


def _matmul_body(x_ref, w_ref, xw_ref):
    xw_ref[...] = jnp.dot(x_ref[...], w_ref[...],
                          preferred_element_type=jnp.float32)


def _tc_matmul(x, W):
    return pl.pallas_call(
        _matmul_body,
        grid=(N_NODES // BR,),
        in_specs=[
            pl.BlockSpec((BR, D), lambda i: (i, 0)),
            pl.BlockSpec((D, D), lambda i: (0, 0)),
        ],
        out_specs=pl.BlockSpec((BR, D), lambda i: (i, 0)),
        out_shape=jax.ShapeDtypeStruct((N_NODES, D), jnp.float32),
    )(x, W)


def _scale_body(xw_ref, deg_ref, y_ref):
    y_ref[...] = xw_ref[...] * _dinv_col(deg_ref)


def _tc_scale(xw, deg):
    return pl.pallas_call(
        _scale_body,
        grid=(N_NODES // BR,),
        in_specs=[
            pl.BlockSpec((BR, D), lambda i: (i, 0)),
            pl.BlockSpec((BR, NC), lambda i: (i, 0)),
        ],
        out_specs=pl.BlockSpec((BR, D), lambda i: (i, 0)),
        out_shape=jax.ShapeDtypeStruct((N_NODES, D), jnp.float32),
    )(xw, deg)


def _final_body(agg_ref, y_ref, deg_ref, b_ref, g_ref, bt_ref, o_ref):
    t = ((agg_ref[0] + agg_ref[1] + y_ref[...]) * _dinv_col(deg_ref)
         + b_ref[...])
    mean = jnp.mean(t, axis=-1, keepdims=True)
    ctr = t - mean
    var = jnp.mean(ctr * ctr, axis=-1, keepdims=True)
    o_ref[...] = ctr * lax.rsqrt(var + 1e-5) * g_ref[...] + bt_ref[...]


def _tc_final(agg_parts, y, deg, b2, g2, bt2):
    return pl.pallas_call(
        _final_body,
        grid=(N_NODES // BR,),
        in_specs=[
            pl.BlockSpec((NC, BR, D), lambda i: (0, i, 0)),
            pl.BlockSpec((BR, D), lambda i: (i, 0)),
            pl.BlockSpec((BR, NC), lambda i: (i, 0)),
            pl.BlockSpec((1, D), lambda i: (0, 0)),
            pl.BlockSpec((1, D), lambda i: (0, 0)),
            pl.BlockSpec((1, D), lambda i: (0, 0)),
        ],
        out_specs=pl.BlockSpec((BR, D), lambda i: (i, 0)),
        out_shape=jax.ShapeDtypeStruct((N_NODES, D), jnp.float32),
    )(agg_parts, y, deg, b2, g2, bt2)


def kernel(x, edge_index, W, b, gamma, beta):
    eq = edge_index.astype(jnp.int32).reshape(2, ECH, ROW).transpose(1, 0, 2)

    deg_t = _sc_degree(eq, _Z_COL, _ONES_ROW).T
    xw = _tc_matmul(x, W)
    y = _tc_scale(xw, deg_t)
    agg_parts = _sc_scatter(y, eq, _Z_ROWS)
    return _tc_final(agg_parts, y, deg_t,
                     b.reshape(1, D), gamma.reshape(1, D), beta.reshape(1, D))

# --- scband reference (transcript-rebuilt; emitter-appended) ---
"""Pipeline reference for scband-gnnconv-18399639896341 (READ-ONLY COPY).

The authoritative reference and input builder live on the scoring server;
editing this copy changes nothing except your own understanding.
"""

import jax, jax.numpy as jnp
import numpy as np

N_NODES = 10000
N_EDGES = 320000
D_IN = 128
D_OUT = 128

def setup_inputs(seed: int = 0) -> dict:
    key = jax.random.key(seed)
    k1, k2, k3, k4 = jax.random.split(key, 4)
    x = jax.random.normal(k1, (N_NODES, D_IN), dtype=jnp.float32)
    edge_index = jax.random.randint(k2, (2, N_EDGES), 0, N_NODES, dtype=jnp.int64)
    # GCNConv linear weight (glorot-like) and bias
    W = jax.random.normal(k3, (D_IN, D_OUT), dtype=jnp.float32) * (1.0 / np.sqrt(D_IN))
    b = jnp.zeros((D_OUT,), dtype=jnp.float32)
    # LayerNorm params
    gamma = jnp.ones((D_OUT,), dtype=jnp.float32)
    beta = jnp.zeros((D_OUT,), dtype=jnp.float32)
    return {"x": x, "edge_index": edge_index, "W": W, "b": b, "gamma": gamma, "beta": beta}


def reference(x, edge_index, W, b, gamma, beta):
    # GCNConv (PyG semantics): add self loops, symmetric normalization,
    # x' = D^{-1/2} (A+I) D^{-1/2} X W + bias, then LayerNorm (transductive task).
    N = x.shape[0]
    src = edge_index[0]
    dst = edge_index[1]
    loop = jnp.arange(N, dtype=src.dtype)
    src = jnp.concatenate([src, loop])
    dst = jnp.concatenate([dst, loop])
    xw = x @ W
    # degree on destination nodes (edge_weight = 1)
    deg = jnp.zeros((N,), dtype=xw.dtype).at[dst].add(1.0)
    deg_inv_sqrt = jnp.where(deg > 0, jax.lax.rsqrt(deg), 0.0)
    norm = deg_inv_sqrt[src] * deg_inv_sqrt[dst]
    msg = xw[src] * norm[:, None]
    agg = jnp.zeros_like(xw).at[dst].add(msg)
    out = agg + b
    # LayerNorm over last dim, eps=1e-5 (torch default)
    mean = jnp.mean(out, axis=-1, keepdims=True)
    var = jnp.mean((out - mean) ** 2, axis=-1, keepdims=True)
    out = (out - mean) / jnp.sqrt(var + 1e-5) * gamma + beta
    return out

if __name__ == "__main__":
    import jax
    _d = setup_inputs()
    print(jax.jit(kernel)(*tuple(_d.values())))

</pallas_src>

<mosaic_0001>
#map = affine_map<(d0, d1) -> (0, 0)>
#map1 = affine_map<(d0, d1) -> (0, 0, 0)>
module attributes {stable_mosaic.version = 14 : i64} {
  func.func @scatter_kernel(%arg0: i32, %arg1: i32, %arg2: memref<10000x128xf32, #tpu.memory_space<hbm>>, %arg3: memref<2500x2x128xi32, #tpu.memory_space<hbm>>, %arg4: memref<640x128xf32, #tpu.memory_space<hbm>>, %arg5: memref<2x10240x128xf32, #tpu.memory_space<hbm>>, %arg6: memref<78x128xi32, #tpu.memory_space<vmem>>, %arg7: memref<2x128xi32, #tpu.memory_space<vmem>>, %arg8: memref<2x128xi32, #tpu.memory_space<vmem>>, %arg9: memref<2x128xi32, #tpu.memory_space<vmem>>, %arg10: memref<2x128xi32, #tpu.memory_space<vmem>>, %arg11: memref<2x128xi32, #tpu.memory_space<vmem>>, %arg12: memref<64x128xf32, #tpu.memory_space<vmem>>, %arg13: memref<64x128xf32, #tpu.memory_space<vmem>>, %arg14: memref<64x128xf32, #tpu.memory_space<vmem>>, %arg15: memref<64x128xf32, #tpu.memory_space<vmem>>, %arg16: memref<!tpu.dma_semaphore, #tpu.memory_space<semaphore_mem>>, %arg17: memref<!tpu.dma_semaphore, #tpu.memory_space<semaphore_mem>>, %arg18: memref<!tpu.dma_semaphore, #tpu.memory_space<semaphore_mem>>, %arg19: memref<!tpu.dma_semaphore, #tpu.memory_space<semaphore_mem>>, %arg20: memref<!tpu.dma_semaphore, #tpu.memory_space<semaphore_mem>>, %arg21: memref<!tpu.dma_semaphore, #tpu.memory_space<semaphore_mem>>, %arg22: memref<!tpu.dma_semaphore, #tpu.memory_space<semaphore_mem>>, %arg23: memref<!tpu.dma_semaphore, #tpu.memory_space<semaphore_mem>>, %arg24: memref<!tpu.dma_semaphore, #tpu.memory_space<semaphore_mem>>, %arg25: memref<!tpu.dma_semaphore, #tpu.memory_space<semaphore_mem>>, %arg26: memref<!tpu.dma_semaphore, #tpu.memory_space<semaphore_mem>>, %arg27: memref<!tpu.dma_semaphore, #tpu.memory_space<semaphore_mem>>, %arg28: memref<10240x128xf32, #tpu.memory_space<vmem_shared>>) attributes {dimension_semantics = [#tpu.dimension_semantics<core_parallel>, #tpu.dimension_semantics<subcore_parallel>], iteration_bounds = array<i64: 2, 16>, scalar_prefetch = 0 : i64, scratch_operands = 23 : i64, tpu.core_type = #tpu.core_type<sc_vector_subcore>, window_params = [{transform_indices = #map}, {transform_indices = #map1}, {transform_indices = #map}, {transform_indices = #map1}]} {
    %mul3A = arith.constant 16 : i32
    %mul3A_0 = arith.muli %arg0, %mul3A : i32
    %add3A = arith.addi %mul3A_0, %arg1 : i32
    %mul3A_1 = arith.constant 78 : i32
    %mul3A_2 = arith.muli %add3A, %mul3A_1 : i32
    %run_scoped3A = arith.constant 0 : i32
    "tpu.region"() ({
      %run_scoped3A_222 = tpu.sem_alloc : memref<!tpu.dma_semaphore, #tpu.memory_space<semaphore_mem>>
      %dma_start3A_223 = arith.constant 0 : i32
      %dma_start3A_224 = tpu.memref_slice %arg3[%mul3A_2, %run_scoped3A, %dma_start3A_223] : memref<2500x2x128xi32, #tpu.memory_space<hbm>> -> memref<78x1x128xi32, #tpu.memory_space<hbm>>
      %dma_start3A_225 = tpu.memref_squeeze %dma_start3A_224 : memref<78x1x128xi32, #tpu.memory_space<hbm>> -> memref<78x128xi32, #tpu.memory_space<hbm>>
      %dma_start3A_226 = arith.constant 0 : i32
      %dma_start3A_227 = tpu.memref_slice %arg3[%mul3A_2, %run_scoped3A, %dma_start3A_226] : memref<2500x2x128xi32, #tpu.memory_space<hbm>> -> memref<78x1x128xi32, #tpu.memory_space<hbm>>
      %dma_start3A_228 = tpu.memref_squeeze %dma_start3A_227 : memref<78x1x128xi32, #tpu.memory_space<hbm>> -> memref<78x128xi32, #tpu.memory_space<hbm>>
      tpu.enqueue_dma source(%dma_start3A_228 : memref<78x128xi32, #tpu.memory_space<hbm>>) target(%arg6 : memref<78x128xi32, #tpu.memory_space<vmem>>) target_semaphore(%run_scoped3A_222 : memref<!tpu.dma_semaphore, #tpu.memory_space<semaphore_mem>>)
      %dma_wait3A_229 = arith.constant 0 : i32
      %dma_wait3A_230 = tpu.memref_slice %arg3[%mul3A_2, %run_scoped3A, %dma_wait3A_229] : memref<2500x2x128xi32, #tpu.memory_space<hbm>> -> memref<78x1x128xi32, #tpu.memory_space<hbm>>
      %dma_wait3A_231 = tpu.memref_squeeze %dma_wait3A_230 : memref<78x1x128xi32, #tpu.memory_space<hbm>> -> memref<78x128xi32, #tpu.memory_space<hbm>>
      %dma_wait3A_232 = arith.constant 0 : i32
      %dma_wait3A_233 = tpu.memref_slice %arg3[%mul3A_2, %run_scoped3A, %dma_wait3A_232] : memref<2500x2x128xi32, #tpu.memory_space<hbm>> -> memref<78x1x128xi32, #tpu.memory_space<hbm>>
      %dma_wait3A_234 = tpu.memref_squeeze %dma_wait3A_233 : memref<78x1x128xi32, #tpu.memory_space<hbm>> -> memref<78x128xi32, #tpu.memory_space<hbm>>
      tpu.wait_dma2 semaphore(%run_scoped3A_222 : memref<!tpu.dma_semaphore, #tpu.memory_space<semaphore_mem>>) src(%dma_wait3A_234 : memref<78x128xi32, #tpu.memory_space<hbm>>) dst(%arg6 : memref<78x128xi32, #tpu.memory_space<vmem>>)
      tpu.yield
    }) : () -> ()
    %mul3A_3 = arith.constant 640 : i32
    %mul3A_4 = arith.muli %arg1, %mul3A_3 : i32
    "tpu.region"() ({
      %run_scoped3A_222 = tpu.sem_alloc : memref<!tpu.dma_semaphore, #tpu.memory_space<semaphore_mem>>
      %dma_start3A_223 = arith.constant 0 : i32
      %dma_start3A_224 = tpu.memref_slice %arg28[%mul3A_4, %dma_start3A_223] : memref<10240x128xf32, #tpu.memory_space<vmem_shared>> -> memref<640x128xf32, #tpu.memory_space<vmem_shared>>
      tpu.enqueue_dma source(%arg4 : memref<640x128xf32, #tpu.memory_space<hbm>>) target(%dma_start3A_224 : memref<640x128xf32, #tpu.memory_space<vmem_shared>>) target_semaphore(%run_scoped3A_222 : memref<!tpu.dma_semaphore, #tpu.memory_space<semaphore_mem>>)
      %dma_wait3A_225 = arith.constant 0 : i32
      %dma_wait3A_226 = tpu.memref_slice %arg28[%mul3A_4, %dma_wait3A_225] : memref<10240x128xf32, #tpu.memory_space<vmem_shared>> -> memref<640x128xf32, #tpu.memory_space<vmem_shared>>
      tpu.wait_dma2 semaphore(%run_scoped3A_222 : memref<!tpu.dma_semaphore, #tpu.memory_space<semaphore_mem>>) src(%arg4 : memref<640x128xf32, #tpu.memory_space<hbm>>) dst(%dma_wait3A_226 : memref<640x128xf32, #tpu.memory_space<vmem_shared>>)
      tpu.yield
    }) : () -> ()
    %barrier3A = arith.constant 0 : index
    tpu.barrier barrier_id(%barrier3A)
    %dma_start3A = arith.constant 0 : i32
    %dma_start3A_5 = arith.constant 0 : i32
    %dma_start3A_6 = tpu.memref_slice %arg6[%dma_start3A, %dma_start3A_5] : memref<78x128xi32, #tpu.memory_space<vmem>> -> memref<1x64xi32, #tpu.memory_space<vmem>>
    %dma_start3A_7 = tpu.memref_squeeze %dma_start3A_6 : memref<1x64xi32, #tpu.memory_space<vmem>> -> memref<64xi32, #tpu.memory_space<vmem>>
    %dma_start3A_8 = arith.constant 0 : i32
    %dma_start3A_9 = arith.constant 0 : i32
    %dma_start3A_10 = tpu.memref_slice %arg2[%dma_start3A_8, %dma_start3A_9] : memref<10000x128xf32, #tpu.memory_space<hbm>> -> memref<10000x128xf32, #tpu.memory_space<hbm>>
    tpu.enqueue_indirect_dma source(%dma_start3A_10 : memref<10000x128xf32, #tpu.memory_space<hbm>>) target(%arg12 : memref<64x128xf32, #tpu.memory_space<vmem>>) offsets(%dma_start3A_7 : memref<64xi32, #tpu.memory_space<vmem>>) semaphore(%arg16 : memref<!tpu.dma_semaphore, #tpu.memory_space<semaphore_mem>>)
    %mul3A_11 = arith.constant 78 : i32
    %mul3A_12 = arith.muli %add3A, %mul3A_11 : i32
    %add3A_13 = arith.constant 0 : i32
    %add3A_14 = arith.addi %mul3A_12, %add3A_13 : i32
    %dma_start3A_15 = arith.constant 0 : i32
    %dma_start3A_16 = arith.constant 0 : i32
    %dma_start3A_17 = tpu.memref_slice %arg3[%add3A_14, %dma_start3A_15, %dma_start3A_16] : memref<2500x2x128xi32, #tpu.memory_space<hbm>> -> memref<1x2x128xi32, #tpu.memory_space<hbm>>
    %dma_start3A_18 = tpu.memref_squeeze %dma_start3A_17 : memref<1x2x128xi32, #tpu.memory_space<hbm>> -> memref<2x128xi32, #tpu.memory_space<hbm>>
    %dma_start3A_19 = arith.constant 0 : i32
    %dma_start3A_20 = arith.constant 0 : i32
    %dma_start3A_21 = tpu.memref_slice %arg3[%add3A_14, %dma_start3A_19, %dma_start3A_20] : memref<2500x2x128xi32, #tpu.memory_space<hbm>> -> memref<1x2x128xi32, #tpu.memory_space<hbm>>
    %dma_start3A_22 = tpu.memref_squeeze %dma_start3A_21 : memref<1x2x128xi32, #tpu.memory_space<hbm>> -> memref<2x128xi32, #tpu.memory_space<hbm>>
    tpu.enqueue_dma source(%dma_start3A_22 : memref<2x128xi32, #tpu.memory_space<hbm>>) target(%arg8 : memref<2x128xi32, #tpu.memory_space<vmem>>) target_semaphore(%arg24 : memref<!tpu.dma_semaphore, #tpu.memory_space<semaphore_mem>>)
    %dma_start3A_23 = arith.constant 0 : i32
    %dma_start3A_24 = arith.constant 64 : i32
    %dma_start3A_25 = tpu.memref_slice %arg6[%dma_start3A_23, %dma_start3A_24] : memref<78x128xi32, #tpu.memory_space<vmem>> -> memref<1x64xi32, #tpu.memory_space<vmem>>
    %dma_start3A_26 = tpu.memref_squeeze %dma_start3A_25 : memref<1x64xi32, #tpu.memory_space<vmem>> -> memref<64xi32, #tpu.memory_space<vmem>>
    %dma_start3A_27 = arith.constant 0 : i32
    %dma_start3A_28 = arith.constant 0 : i32
    %dma_start3A_29 = tpu.memref_slice %arg2[%dma_start3A_27, %dma_start3A_28] : memref<10000x128xf32, #tpu.memory_space<hbm>> -> memref<10000x128xf32, #tpu.memory_space<hbm>>
    tpu.enqueue_indirect_dma source(%dma_start3A_29 : memref<10000x128xf32, #tpu.memory_space<hbm>>) target(%arg13 : memref<64x128xf32, #tpu.memory_space<vmem>>) offsets(%dma_start3A_26 : memref<64xi32, #tpu.memory_space<vmem>>) semaphore(%arg17 : memref<!tpu.dma_semaphore, #tpu.memory_space<semaphore_mem>>)
    %mul3A_30 = arith.constant 78 : i32
    %mul3A_31 = arith.muli %add3A, %mul3A_30 : i32
    %add3A_32 = arith.constant 0 : i32
    %add3A_33 = arith.addi %mul3A_31, %add3A_32 : i32
    %dma_start3A_34 = arith.constant 0 : i32
    %dma_start3A_35 = arith.constant 0 : i32
    %dma_start3A_36 = tpu.memref_slice %arg3[%add3A_33, %dma_start3A_34, %dma_start3A_35] : memref<2500x2x128xi32, #tpu.memory_space<hbm>> -> memref<1x2x128xi32, #tpu.memory_space<hbm>>
    %dma_start3A_37 = tpu.memref_squeeze %dma_start3A_36 : memref<1x2x128xi32, #tpu.memory_space<hbm>> -> memref<2x128xi32, #tpu.memory_space<hbm>>
    %dma_start3A_38 = arith.constant 0 : i32
    %dma_start3A_39 = arith.constant 0 : i32
    %dma_start3A_40 = tpu.memref_slice %arg3[%add3A_33, %dma_start3A_38, %dma_start3A_39] : memref<2500x2x128xi32, #tpu.memory_space<hbm>> -> memref<1x2x128xi32, #tpu.memory_space<hbm>>
    %dma_start3A_41 = tpu.memref_squeeze %dma_start3A_40 : memref<1x2x128xi32, #tpu.memory_space<hbm>> -> memref<2x128xi32, #tpu.memory_space<hbm>>
    tpu.enqueue_dma source(%dma_start3A_41 : memref<2x128xi32, #tpu.memory_space<hbm>>) target(%arg9 : memref<2x128xi32, #tpu.memory_space<vmem>>) target_semaphore(%arg25 : memref<!tpu.dma_semaphore, #tpu.memory_space<semaphore_mem>>)
    %dma_start3A_42 = arith.constant 1 : i32
    %dma_start3A_43 = arith.constant 0 : i32
    %dma_start3A_44 = tpu.memref_slice %arg6[%dma_start3A_42, %dma_start3A_43] : memref<78x128xi32, #tpu.memory_space<vmem>> -> memref<1x64xi32, #tpu.memory_space<vmem>>
    %dma_start3A_45 = tpu.memref_squeeze %dma_start3A_44 : memref<1x64xi32, #tpu.memory_space<vmem>> -> memref<64xi32, #tpu.memory_space<vmem>>
    %dma_start3A_46 = arith.constant 0 : i32
    %dma_start3A_47 = arith.constant 0 : i32
    %dma_start3A_48 = tpu.memref_slice %arg2[%dma_start3A_46, %dma_start3A_47] : memref<10000x128xf32, #tpu.memory_space<hbm>> -> memref<10000x128xf32, #tpu.memory_space<hbm>>
    tpu.enqueue_indirect_dma source(%dma_start3A_48 : memref<10000x128xf32, #tpu.memory_space<hbm>>) target(%arg14 : memref<64x128xf32, #tpu.memory_space<vmem>>) offsets(%dma_start3A_45 : memref<64xi32, #tpu.memory_space<vmem>>) semaphore(%arg18 : memref<!tpu.dma_semaphore, #tpu.memory_space<semaphore_mem>>)
    %mul3A_49 = arith.constant 78 : i32
    %mul3A_50 = arith.muli %add3A, %mul3A_49 : i32
    %add3A_51 = arith.constant 1 : i32
    %add3A_52 = arith.addi %mul3A_50, %add3A_51 : i32
    %dma_start3A_53 = arith.constant 0 : i32
    %dma_start3A_54 = arith.constant 0 : i32
    %dma_start3A_55 = tpu.memref_slice %arg3[%add3A_52, %dma_start3A_53, %dma_start3A_54] : memref<2500x2x128xi32, #tpu.memory_space<hbm>> -> memref<1x2x128xi32, #tpu.memory_space<hbm>>
    %dma_start3A_56 = tpu.memref_squeeze %dma_start3A_55 : memref<1x2x128xi32, #tpu.memory_space<hbm>> -> memref<2x128xi32, #tpu.memory_space<hbm>>
    %dma_start3A_57 = arith.constant 0 : i32
    %dma_start3A_58 = arith.constant 0 : i32
    %dma_start3A_59 = tpu.memref_slice %arg3[%add3A_52, %dma_start3A_57, %dma_start3A_58] : memref<2500x2x128xi32, #tpu.memory_space<hbm>> -> memref<1x2x128xi32, #tpu.memory_space<hbm>>
    %dma_start3A_60 = tpu.memref_squeeze %dma_start3A_59 : memref<1x2x128xi32, #tpu.memory_space<hbm>> -> memref<2x128xi32, #tpu.memory_space<hbm>>
    tpu.enqueue_dma source(%dma_start3A_60 : memref<2x128xi32, #tpu.memory_space<hbm>>) target(%arg10 : memref<2x128xi32, #tpu.memory_space<vmem>>) target_semaphore(%arg26 : memref<!tpu.dma_semaphore, #tpu.memory_space<semaphore_mem>>)
    %dma_start3A_61 = arith.constant 1 : i32
    %dma_start3A_62 = arith.constant 64 : i32
    %dma_start3A_63 = tpu.memref_slice %arg6[%dma_start3A_61, %dma_start3A_62] : memref<78x128xi32, #tpu.memory_space<vmem>> -> memref<1x64xi32, #tpu.memory_space<vmem>>
    %dma_start3A_64 = tpu.memref_squeeze %dma_start3A_63 : memref<1x64xi32, #tpu.memory_space<vmem>> -> memref<64xi32, #tpu.memory_space<vmem>>
    %dma_start3A_65 = arith.constant 0 : i32
    %dma_start3A_66 = arith.constant 0 : i32
    %dma_start3A_67 = tpu.memref_slice %arg2[%dma_start3A_65, %dma_start3A_66] : memref<10000x128xf32, #tpu.memory_space<hbm>> -> memref<10000x128xf32, #tpu.memory_space<hbm>>
    tpu.enqueue_indirect_dma source(%dma_start3A_67 : memref<10000x128xf32, #tpu.memory_space<hbm>>) target(%arg15 : memref<64x128xf32, #tpu.memory_space<vmem>>) offsets(%dma_start3A_64 : memref<64xi32, #tpu.memory_space<vmem>>) semaphore(%arg19 : memref<!tpu.dma_semaphore, #tpu.memory_space<semaphore_mem>>)
    %mul3A_68 = arith.constant 78 : i32
    %mul3A_69 = arith.muli %add3A, %mul3A_68 : i32
    %add3A_70 = arith.constant 1 : i32
    %add3A_71 = arith.addi %mul3A_69, %add3A_70 : i32
    %dma_start3A_72 = arith.constant 0 : i32
    %dma_start3A_73 = arith.constant 0 : i32
    %dma_start3A_74 = tpu.memref_slice %arg3[%add3A_71, %dma_start3A_72, %dma_start3A_73] : memref<2500x2x128xi32, #tpu.memory_space<hbm>> -> memref<1x2x128xi32, #tpu.memory_space<hbm>>
    %dma_start3A_75 = tpu.memref_squeeze %dma_start3A_74 : memref<1x2x128xi32, #tpu.memory_space<hbm>> -> memref<2x128xi32, #tpu.memory_space<hbm>>
    %dma_start3A_76 = arith.constant 0 : i32
    %dma_start3A_77 = arith.constant 0 : i32
    %dma_start3A_78 = tpu.memref_slice %arg3[%add3A_71, %dma_start3A_76, %dma_start3A_77] : memref<2500x2x128xi32, #tpu.memory_space<hbm>> -> memref<1x2x128xi32, #tpu.memory_space<hbm>>
    %dma_start3A_79 = tpu.memref_squeeze %dma_start3A_78 : memref<1x2x128xi32, #tpu.memory_space<hbm>> -> memref<2x128xi32, #tpu.memory_space<hbm>>
    tpu.enqueue_dma source(%dma_start3A_79 : memref<2x128xi32, #tpu.memory_space<hbm>>) target(%arg11 : memref<2x128xi32, #tpu.memory_space<vmem>>) target_semaphore(%arg27 : memref<!tpu.dma_semaphore, #tpu.memory_space<semaphore_mem>>)
    %scan3A = arith.constant 0 : i32
    %scan3A_80 = arith.constant 38 : i32
    %scan3A_81 = arith.addi %scan3A, %scan3A_80 : i32
    %scan3A_82 = arith.constant 1 : i32
    scf.for %scan3A_222 = %scan3A to %scan3A_81 step %scan3A_82  : i32 {
      %mul3A_223 = arith.constant 1 : i32
      %mul3A_224 = arith.muli %scan3A_222, %mul3A_223 : i32
      %add3A_225 = arith.constant 0 : i32
      %add3A_226 = arith.addi %add3A_225, %mul3A_224 : i32
      %mul3A_227 = arith.constant 4 : i32
      %mul3A_228 = arith.muli %add3A_226, %mul3A_227 : i32
      %add3A_229 = arith.constant 0 : i32
      %add3A_230 = arith.addi %mul3A_228, %add3A_229 : i32
      %jit3A = arith.constant 2 : i32
      %div3A = arith.divsi %add3A_230, %jit3A : i32
      %sign3A = arith.constant 0 : i32
      %sign3A_231 = arith.cmpi sgt, %add3A_230, %sign3A : i32
      %sign3A_232 = arith.extui %sign3A_231 : i1 to i32
      %sign3A_233 = arith.constant 0 : i32
      %sign3A_234 = arith.cmpi slt, %add3A_230, %sign3A_233 : i32
      %sign3A_235 = arith.extui %sign3A_234 : i1 to i32
      %sign3A_236 = arith.subi %sign3A_232, %sign3A_235 : i32
      %sign3A_237 = arith.constant 0 : i32
      %sign3A_238 = arith.cmpi sgt, %jit3A, %sign3A_237 : i32
      %sign3A_239 = arith.extui %sign3A_238 : i1 to i32
      %sign3A_240 = arith.constant 0 : i32
      %sign3A_241 = arith.cmpi slt, %jit3A, %sign3A_240 : i32
      %sign3A_242 = arith.extui %sign3A_241 : i1 to i32
      %sign3A_243 = arith.subi %sign3A_239, %sign3A_242 : i32
      %ne3A = arith.cmpi ne, %sign3A_236, %sign3A_243 : i32
      %rem3A = arith.remsi %add3A_230, %jit3A : i32
      %ne3A_244 = arith.constant 0 : i32
      %ne3A_245 = arith.cmpi ne, %rem3A, %ne3A_244 : i32
      %and3A = arith.andi %ne3A, %ne3A_245 : i1
      %sub3A = arith.constant 1 : i32
      %sub3A_246 = arith.subi %div3A, %sub3A : i32
      %select_n3A = arith.select %and3A, %sub3A_246, %div3A : i32
      %jit3A_247 = arith.constant 2 : i32
      %eq3A = arith.constant 0 : i32
      %eq3A_248 = arith.cmpi eq, %jit3A_247, %eq3A : i32
      %jit3A_249 = arith.constant 1 : i32
      %select_n3A_250 = arith.select %eq3A_248, %jit3A_249, %jit3A_247 : i32
      %rem3A_251 = arith.remsi %add3A_230, %select_n3A_250 : i32
      %ne3A_252 = arith.constant 0 : i32
      %ne3A_253 = arith.cmpi ne, %rem3A_251, %ne3A_252 : i32
      %lt3A_254 = arith.constant 0 : i32
      %lt3A_255 = arith.cmpi slt, %rem3A_251, %lt3A_254 : i32
      %lt3A_256 = arith.constant 0 : i32
      %lt3A_257 = arith.cmpi slt, %select_n3A_250, %lt3A_256 : i32
      %ne3A_258 = arith.xori %lt3A_255, %lt3A_257 : i1
      %and3A_259 = arith.andi %ne3A_258, %ne3A_253 : i1
      %add3A_260 = arith.addi %rem3A_251, %select_n3A_250 : i32
      %select_n3A_261 = arith.select %and3A_259, %add3A_260, %rem3A_251 : i32
      %mul3A_262 = arith.constant 64 : i32
      %mul3A_263 = arith.muli %select_n3A_261, %mul3A_262 : i32
      %dma_wait3A_264 = tpu.memref_slice %arg6[%select_n3A, %mul3A_263] : memref<78x128xi32, #tpu.memory_space<vmem>> -> memref<1x64xi32, #tpu.memory_space<vmem>>
      %dma_wait3A_265 = tpu.memref_squeeze %dma_wait3A_264 : memref<1x64xi32, #tpu.memory_space<vmem>> -> memref<64xi32, #tpu.memory_space<vmem>>
      %dma_wait3A_266 = arith.constant 0 : i32
      %dma_wait3A_267 = arith.constant 0 : i32
      %dma_wait3A_268 = tpu.memref_slice %arg2[%dma_wait3A_266, %dma_wait3A_267] : memref<10000x128xf32, #tpu.memory_space<hbm>> -> memref<10000x128xf32, #tpu.memory_space<hbm>>
      tpu.wait_indirect_dma semaphore(%arg16 : memref<!tpu.dma_semaphore, #tpu.memory_space<semaphore_mem>>) src(%dma_wait3A_268 : memref<10000x128xf32, #tpu.memory_space<hbm>>) dst(%arg12 : memref<64x128xf32, #tpu.memory_space<vmem>>)
      %add3A_269 = arith.constant 0 : i32
      %add3A_270 = arith.addi %mul3A_228, %add3A_269 : i32
      %mul3A_271 = arith.constant 78 : i32
      %mul3A_272 = arith.muli %add3A, %mul3A_271 : i32
      %jit3A_273 = arith.constant 2 : i32
      %div3A_274 = arith.divsi %add3A_270, %jit3A_273 : i32
      %sign3A_275 = arith.constant 0 : i32
      %sign3A_276 = arith.cmpi sgt, %add3A_270, %sign3A_275 : i32
      %sign3A_277 = arith.extui %sign3A_276 : i1 to i32
      %sign3A_278 = arith.constant 0 : i32
      %sign3A_279 = arith.cmpi slt, %add3A_270, %sign3A_278 : i32
      %sign3A_280 = arith.extui %sign3A_279 : i1 to i32
      %sign3A_281 = arith.subi %sign3A_277, %sign3A_280 : i32
      %sign3A_282 = arith.constant 0 : i32
      %sign3A_283 = arith.cmpi sgt, %jit3A_273, %sign3A_282 : i32
      %sign3A_284 = arith.extui %sign3A_283 : i1 to i32
      %sign3A_285 = arith.constant 0 : i32
      %sign3A_286 = arith.cmpi slt, %jit3A_273, %sign3A_285 : i32
      %sign3A_287 = arith.extui %sign3A_286 : i1 to i32
      %sign3A_288 = arith.subi %sign3A_284, %sign3A_287 : i32
      %ne3A_289 = arith.cmpi ne, %sign3A_281, %sign3A_288 : i32
      %rem3A_290 = arith.remsi %add3A_270, %jit3A_273 : i32
      %ne3A_291 = arith.constant 0 : i32
      %ne3A_292 = arith.cmpi ne, %rem3A_290, %ne3A_291 : i32
      %and3A_293 = arith.andi %ne3A_289, %ne3A_292 : i1
      %sub3A_294 = arith.constant 1 : i32
      %sub3A_295 = arith.subi %div3A_274, %sub3A_294 : i32
      %select_n3A_296 = arith.select %and3A_293, %sub3A_295, %div3A_274 : i32
      %add3A_297 = arith.addi %mul3A_272, %select_n3A_296 : i32
      %dma_wait3A_298 = arith.constant 0 : i32
      %dma_wait3A_299 = arith.constant 0 : i32
      %dma_wait3A_300 = tpu.memref_slice %arg3[%add3A_297, %dma_wait3A_298, %dma_wait3A_299] : memref<2500x2x128xi32, #tpu.memory_space<hbm>> -> memref<1x2x128xi32, #tpu.memory_space<hbm>>
      %dma_wait3A_301 = tpu.memref_squeeze %dma_wait3A_300 : memref<1x2x128xi32, #tpu.memory_space<hbm>> -> memref<2x128xi32, #tpu.memory_space<hbm>>
      %dma_wait3A_302 = arith.constant 0 : i32
      %dma_wait3A_303 = arith.constant 0 : i32
      %dma_wait3A_304 = tpu.memref_slice %arg3[%add3A_297, %dma_wait3A_302, %dma_wait3A_303] : memref<2500x2x128xi32, #tpu.memory_space<hbm>> -> memref<1x2x128xi32, #tpu.memory_space<hbm>>
      %dma_wait3A_305 = tpu.memref_squeeze %dma_wait3A_304 : memref<1x2x128xi32, #tpu.memory_space<hbm>> -> memref<2x128xi32, #tpu.memory_space<hbm>>
      tpu.wait_dma2 semaphore(%arg24 : memref<!tpu.dma_semaphore, #tpu.memory_space<semaphore_mem>>) src(%dma_wait3A_305 : memref<2x128xi32, #tpu.memory_space<hbm>>) dst(%arg8 : memref<2x128xi32, #tpu.memory_space<vmem>>)
      %add3A_306 = arith.constant 0 : i32
      %add3A_307 = arith.addi %mul3A_228, %add3A_306 : i32
      %jit3A_308 = arith.constant 2 : i32
      %eq3A_309 = arith.constant 0 : i32
      %eq3A_310 = arith.cmpi eq, %jit3A_308, %eq3A_309 : i32
      %jit3A_311 = arith.constant 1 : i32
      %select_n3A_312 = arith.select %eq3A_310, %jit3A_311, %jit3A_308 : i32
      %rem3A_313 = arith.remsi %add3A_307, %select_n3A_312 : i32
      %ne3A_314 = arith.constant 0 : i32
      %ne3A_315 = arith.cmpi ne, %rem3A_313, %ne3A_314 : i32
      %lt3A_316 = arith.constant 0 : i32
      %lt3A_317 = arith.cmpi slt, %rem3A_313, %lt3A_316 : i32
      %lt3A_318 = arith.constant 0 : i32
      %lt3A_319 = arith.cmpi slt, %select_n3A_312, %lt3A_318 : i32
      %ne3A_320 = arith.xori %lt3A_317, %lt3A_319 : i1
      %and3A_321 = arith.andi %ne3A_320, %ne3A_315 : i1
      %add3A_322 = arith.addi %rem3A_313, %select_n3A_312 : i32
      %select_n3A_323 = arith.select %and3A_321, %add3A_322, %rem3A_313 : i32
      %mul3A_324 = arith.constant 64 : i32
      %mul3A_325 = arith.muli %select_n3A_323, %mul3A_324 : i32
      %dma_start3A_326 = arith.constant 1 : i32
      %dma_start3A_327 = tpu.memref_slice %arg8[%dma_start3A_326, %mul3A_325] : memref<2x128xi32, #tpu.memory_space<vmem>> -> memref<1x64xi32, #tpu.memory_space<vmem>>
      %dma_start3A_328 = tpu.memref_squeeze %dma_start3A_327 : memref<1x64xi32, #tpu.memory_space<vmem>> -> memref<64xi32, #tpu.memory_space<vmem>>
      %dma_start3A_329 = arith.constant 0 : i32
      %dma_start3A_330 = arith.constant 0 : i32
      %dma_start3A_331 = tpu.memref_slice %arg28[%dma_start3A_329, %dma_start3A_330] : memref<10240x128xf32, #tpu.memory_space<vmem_shared>> -> memref<10240x128xf32, #tpu.memory_space<vmem_shared>>
      tpu.enqueue_indirect_dma source(%arg12 : memref<64x128xf32, #tpu.memory_space<vmem>>) target(%dma_start3A_331 : memref<10240x128xf32, #tpu.memory_space<vmem_shared>>) offsets(%dma_start3A_328 : memref<64xi32, #tpu.memory_space<vmem>>) semaphore(%arg20 : memref<!tpu.dma_semaphore, #tpu.memory_space<semaphore_mem>>) {add = true}
      %add3A_332 = arith.constant 1 : i32
      %add3A_333 = arith.addi %mul3A_228, %add3A_332 : i32
      %jit3A_334 = arith.constant 2 : i32
      %div3A_335 = arith.divsi %add3A_333, %jit3A_334 : i32
      %sign3A_336 = arith.constant 0 : i32
      %sign3A_337 = arith.cmpi sgt, %add3A_333, %sign3A_336 : i32
      %sign3A_338 = arith.extui %sign3A_337 : i1 to i32
      %sign3A_339 = arith.constant 0 : i32
      %sign3A_340 = arith.cmpi slt, %add3A_333, %sign3A_339 : i32
      %sign3A_341 = arith.extui %sign3A_340 : i1 to i32
      %sign3A_342 = arith.subi %sign3A_338, %sign3A_341 : i32
      %sign3A_343 = arith.constant 0 : i32
      %sign3A_344 = arith.cmpi sgt, %jit3A_334, %sign3A_343 : i32
      %sign3A_345 = arith.extui %sign3A_344 : i1 to i32
      %sign3A_346 = arith.constant 0 : i32
      %sign3A_347 = arith.cmpi slt, %jit3A_334, %sign3A_346 : i32
      %sign3A_348 = arith.extui %sign3A_347 : i1 to i32
      %sign3A_349 = arith.subi %sign3A_345, %sign3A_348 : i32
      %ne3A_350 = arith.cmpi ne, %sign3A_342, %sign3A_349 : i32
      %rem3A_351 = arith.remsi %add3A_333, %jit3A_334 : i32
      %ne3A_352 = arith.constant 0 : i32
      %ne3A_353 = arith.cmpi ne, %rem3A_351, %ne3A_352 : i32
      %and3A_354 = arith.andi %ne3A_350, %ne3A_353 : i1
      %sub3A_355 = arith.constant 1 : i32
      %sub3A_356 = arith.subi %div3A_335, %sub3A_355 : i32
      %select_n3A_357 = arith.select %and3A_354, %sub3A_356, %div3A_335 : i32
      %jit3A_358 = arith.constant 2 : i32
      %eq3A_359 = arith.constant 0 : i32
      %eq3A_360 = arith.cmpi eq, %jit3A_358, %eq3A_359 : i32
      %jit3A_361 = arith.constant 1 : i32
      %select_n3A_362 = arith.select %eq3A_360, %jit3A_361, %jit3A_358 : i32
      %rem3A_363 = arith.remsi %add3A_333, %select_n3A_362 : i32
      %ne3A_364 = arith.constant 0 : i32
      %ne3A_365 = arith.cmpi ne, %rem3A_363, %ne3A_364 : i32
      %lt3A_366 = arith.constant 0 : i32
      %lt3A_367 = arith.cmpi slt, %rem3A_363, %lt3A_366 : i32
      %lt3A_368 = arith.constant 0 : i32
      %lt3A_369 = arith.cmpi slt, %select_n3A_362, %lt3A_368 : i32
      %ne3A_370 = arith.xori %lt3A_367, %lt3A_369 : i1
      %and3A_371 = arith.andi %ne3A_370, %ne3A_365 : i1
      %add3A_372 = arith.addi %rem3A_363, %select_n3A_362 : i32
      %select_n3A_373 = arith.select %and3A_371, %add3A_372, %rem3A_363 : i32
      %mul3A_374 = arith.constant 64 : i32
      %mul3A_375 = arith.muli %select_n3A_373, %mul3A_374 : i32
      %dma_wait3A_376 = tpu.memref_slice %arg6[%select_n3A_357, %mul3A_375] : memref<78x128xi32, #tpu.memory_space<vmem>> -> memref<1x64xi32, #tpu.memory_space<vmem>>
      %dma_wait3A_377 = tpu.memref_squeeze %dma_wait3A_376 : memref<1x64xi32, #tpu.memory_space<vmem>> -> memref<64xi32, #tpu.memory_space<vmem>>
      %dma_wait3A_378 = arith.constant 0 : i32
      %dma_wait3A_379 = arith.constant 0 : i32
      %dma_wait3A_380 = tpu.memref_slice %arg2[%dma_wait3A_378, %dma_wait3A_379] : memref<10000x128xf32, #tpu.memory_space<hbm>> -> memref<10000x128xf32, #tpu.memory_space<hbm>>
      tpu.wait_indirect_dma semaphore(%arg17 : memref<!tpu.dma_semaphore, #tpu.memory_space<semaphore_mem>>) src(%dma_wait3A_380 : memref<10000x128xf32, #tpu.memory_space<hbm>>) dst(%arg13 : memref<64x128xf32, #tpu.memory_space<vmem>>)
      %add3A_381 = arith.constant 1 : i32
      %add3A_382 = arith.addi %mul3A_228, %add3A_381 : i32
      %mul3A_383 = arith.constant 78 : i32
      %mul3A_384 = arith.muli %add3A, %mul3A_383 : i32
      %jit3A_385 = arith.constant 2 : i32
      %div3A_386 = arith.divsi %add3A_382, %jit3A_385 : i32
      %sign3A_387 = arith.constant 0 : i32
      %sign3A_388 = arith.cmpi sgt, %add3A_382, %sign3A_387 : i32
      %sign3A_389 = arith.extui %sign3A_388 : i1 to i32
      %sign3A_390 = arith.constant 0 : i32
      %sign3A_391 = arith.cmpi slt, %add3A_382, %sign3A_390 : i32
      %sign3A_392 = arith.extui %sign3A_391 : i1 to i32
      %sign3A_393 = arith.subi %sign3A_389, %sign3A_392 : i32
      %sign3A_394 = arith.constant 0 : i32
      %sign3A_395 = arith.cmpi sgt, %jit3A_385, %sign3A_394 : i32
      %sign3A_396 = arith.extui %sign3A_395 : i1 to i32
      %sign3A_397 = arith.constant 0 : i32
      %sign3A_398 = arith.cmpi slt, %jit3A_385, %sign3A_397 : i32
      %sign3A_399 = arith.extui %sign3A_398 : i1 to i32
      %sign3A_400 = arith.subi %sign3A_396, %sign3A_399 : i32
      %ne3A_401 = arith.cmpi ne, %sign3A_393, %sign3A_400 : i32
      %rem3A_402 = arith.remsi %add3A_382, %jit3A_385 : i32
      %ne3A_403 = arith.constant 0 : i32
      %ne3A_404 = arith.cmpi ne, %rem3A_402, %ne3A_403 : i32
      %and3A_405 = arith.andi %ne3A_401, %ne3A_404 : i1
      %sub3A_406 = arith.constant 1 : i32
      %sub3A_407 = arith.subi %div3A_386, %sub3A_406 : i32
      %select_n3A_408 = arith.select %and3A_405, %sub3A_407, %div3A_386 : i32
      %add3A_409 = arith.addi %mul3A_384, %select_n3A_408 : i32
      %dma_wait3A_410 = arith.constant 0 : i32
      %dma_wait3A_411 = arith.constant 0 : i32
      %dma_wait3A_412 = tpu.memref_slice %arg3[%add3A_409, %dma_wait3A_410, %dma_wait3A_411] : memref<2500x2x128xi32, #tpu.memory_space<hbm>> -> memref<1x2x128xi32, #tpu.memory_space<hbm>>
      %dma_wait3A_413 = tpu.memref_squeeze %dma_wait3A_412 : memref<1x2x128xi32, #tpu.memory_space<hbm>> -> memref<2x128xi32, #tpu.memory_space<hbm>>
      %dma_wait3A_414 = arith.constant 0 : i32
      %dma_wait3A_415 = arith.constant 0 : i32
      %dma_wait3A_416 = tpu.memref_slice %arg3[%add3A_409, %dma_wait3A_414, %dma_wait3A_415] : memref<2500x2x128xi32, #tpu.memory_space<hbm>> -> memref<1x2x128xi32, #tpu.memory_space<hbm>>
      %dma_wait3A_417 = tpu.memref_squeeze %dma_wait3A_416 : memref<1x2x128xi32, #tpu.memory_space<hbm>> -> memref<2x128xi32, #tpu.memory_space<hbm>>
      tpu.wait_dma2 semaphore(%arg25 : memref<!tpu.dma_semaphore, #tpu.memory_space<semaphore_mem>>) src(%dma_wait3A_417 : memref<2x128xi32, #tpu.memory_space<hbm>>) dst(%arg9 : memref<2x128xi32, #tpu.memory_space<vmem>>)
      %add3A_418 = arith.constant 1 : i32
      %add3A_419 = arith.addi %mul3A_228, %add3A_418 : i32
      %jit3A_420 = arith.constant 2 : i32
      %eq3A_421 = arith.constant 0 : i32
      %eq3A_422 = arith.cmpi eq, %jit3A_420, %eq3A_421 : i32
      %jit3A_423 = arith.constant 1 : i32
      %select_n3A_424 = arith.select %eq3A_422, %jit3A_423, %jit3A_420 : i32
      %rem3A_425 = arith.remsi %add3A_419, %select_n3A_424 : i32
      %ne3A_426 = arith.constant 0 : i32
      %ne3A_427 = arith.cmpi ne, %rem3A_425, %ne3A_426 : i32
      %lt3A_428 = arith.constant 0 : i32
      %lt3A_429 = arith.cmpi slt, %rem3A_425, %lt3A_428 : i32
      %lt3A_430 = arith.constant 0 : i32
      %lt3A_431 = arith.cmpi slt, %select_n3A_424, %lt3A_430 : i32
      %ne3A_432 = arith.xori %lt3A_429, %lt3A_431 : i1
      %and3A_433 = arith.andi %ne3A_432, %ne3A_427 : i1
      %add3A_434 = arith.addi %rem3A_425, %select_n3A_424 : i32
      %select_n3A_435 = arith.select %and3A_433, %add3A_434, %rem3A_425 : i32
      %mul3A_436 = arith.constant 64 : i32
      %mul3A_437 = arith.muli %select_n3A_435, %mul3A_436 : i32
      %dma_start3A_438 = arith.constant 1 : i32
      %dma_start3A_439 = tpu.memref_slice %arg9[%dma_start3A_438, %mul3A_437] : memref<2x128xi32, #tpu.memory_space<vmem>> -> memref<1x64xi32, #tpu.memory_space<vmem>>
      %dma_start3A_440 = tpu.memref_squeeze %dma_start3A_439 : memref<1x64xi32, #tpu.memory_space<vmem>> -> memref<64xi32, #tpu.memory_space<vmem>>
      %dma_start3A_441 = arith.constant 0 : i32
      %dma_start3A_442 = arith.constant 0 : i32
      %dma_start3A_443 = tpu.memref_slice %arg28[%dma_start3A_441, %dma_start3A_442] : memref<10240x128xf32, #tpu.memory_space<vmem_shared>> -> memref<10240x128xf32, #tpu.memory_space<vmem_shared>>
      tpu.enqueue_indirect_dma source(%arg13 : memref<64x128xf32, #tpu.memory_space<vmem>>) target(%dma_start3A_443 : memref<10240x128xf32, #tpu.memory_space<vmem_shared>>) offsets(%dma_start3A_440 : memref<64xi32, #tpu.memory_space<vmem>>) semaphore(%arg21 : memref<!tpu.dma_semaphore, #tpu.memory_space<semaphore_mem>>) {add = true}
      %add3A_444 = arith.constant 2 : i32
      %add3A_445 = arith.addi %mul3A_228, %add3A_444 : i32
      %jit3A_446 = arith.constant 2 : i32
      %div3A_447 = arith.divsi %add3A_445, %jit3A_446 : i32
      %sign3A_448 = arith.constant 0 : i32
      %sign3A_449 = arith.cmpi sgt, %add3A_445, %sign3A_448 : i32
      %sign3A_450 = arith.extui %sign3A_449 : i1 to i32
      %sign3A_451 = arith.constant 0 : i32
      %sign3A_452 = arith.cmpi slt, %add3A_445, %sign3A_451 : i32
      %sign3A_453 = arith.extui %sign3A_452 : i1 to i32
      %sign3A_454 = arith.subi %sign3A_450, %sign3A_453 : i32
      %sign3A_455 = arith.constant 0 : i32
      %sign3A_456 = arith.cmpi sgt, %jit3A_446, %sign3A_455 : i32
      %sign3A_457 = arith.extui %sign3A_456 : i1 to i32
      %sign3A_458 = arith.constant 0 : i32
      %sign3A_459 = arith.cmpi slt, %jit3A_446, %sign3A_458 : i32
      %sign3A_460 = arith.extui %sign3A_459 : i1 to i32
      %sign3A_461 = arith.subi %sign3A_457, %sign3A_460 : i32
      %ne3A_462 = arith.cmpi ne, %sign3A_454, %sign3A_461 : i32
      %rem3A_463 = arith.remsi %add3A_445, %jit3A_446 : i32
      %ne3A_464 = arith.constant 0 : i32
      %ne3A_465 = arith.cmpi ne, %rem3A_463, %ne3A_464 : i32
      %and3A_466 = arith.andi %ne3A_462, %ne3A_465 : i1
      %sub3A_467 = arith.constant 1 : i32
      %sub3A_468 = arith.subi %div3A_447, %sub3A_467 : i32
      %select_n3A_469 = arith.select %and3A_466, %sub3A_468, %div3A_447 : i32
      %jit3A_470 = arith.constant 2 : i32
      %eq3A_471 = arith.constant 0 : i32
      %eq3A_472 = arith.cmpi eq, %jit3A_470, %eq3A_471 : i32
      %jit3A_473 = arith.constant 1 : i32
      %select_n3A_474 = arith.select %eq3A_472, %jit3A_473, %jit3A_470 : i32
      %rem3A_475 = arith.remsi %add3A_445, %select_n3A_474 : i32
      %ne3A_476 = arith.constant 0 : i32
      %ne3A_477 = arith.cmpi ne, %rem3A_475, %ne3A_476 : i32
      %lt3A_478 = arith.constant 0 : i32
      %lt3A_479 = arith.cmpi slt, %rem3A_475, %lt3A_478 : i32
      %lt3A_480 = arith.constant 0 : i32
      %lt3A_481 = arith.cmpi slt, %select_n3A_474, %lt3A_480 : i32
      %ne3A_482 = arith.xori %lt3A_479, %lt3A_481 : i1
      %and3A_483 = arith.andi %ne3A_482, %ne3A_477 : i1
      %add3A_484 = arith.addi %rem3A_475, %select_n3A_474 : i32
      %select_n3A_485 = arith.select %and3A_483, %add3A_484, %rem3A_475 : i32
      %mul3A_486 = arith.constant 64 : i32
      %mul3A_487 = arith.muli %select_n3A_485, %mul3A_486 : i32
      %dma_wait3A_488 = tpu.memref_slice %arg6[%select_n3A_469, %mul3A_487] : memref<78x128xi32, #tpu.memory_space<vmem>> -> memref<1x64xi32, #tpu.memory_space<vmem>>
      %dma_wait3A_489 = tpu.memref_squeeze %dma_wait3A_488 : memref<1x64xi32, #tpu.memory_space<vmem>> -> memref<64xi32, #tpu.memory_space<vmem>>
      %dma_wait3A_490 = arith.constant 0 : i32
      %dma_wait3A_491 = arith.constant 0 : i32
      %dma_wait3A_492 = tpu.memref_slice %arg2[%dma_wait3A_490, %dma_wait3A_491] : memref<10000x128xf32, #tpu.memory_space<hbm>> -> memref<10000x128xf32, #tpu.memory_space<hbm>>
      tpu.wait_indirect_dma semaphore(%arg18 : memref<!tpu.dma_semaphore, #tpu.memory_space<semaphore_mem>>) src(%dma_wait3A_492 : memref<10000x128xf32, #tpu.memory_space<hbm>>) dst(%arg14 : memref<64x128xf32, #tpu.memory_space<vmem>>)
      %add3A_493 = arith.constant 2 : i32
      %add3A_494 = arith.addi %mul3A_228, %add3A_493 : i32
      %mul3A_495 = arith.constant 78 : i32
      %mul3A_496 = arith.muli %add3A, %mul3A_495 : i32
      %jit3A_497 = arith.constant 2 : i32
      %div3A_498 = arith.divsi %add3A_494, %jit3A_497 : i32
      %sign3A_499 = arith.constant 0 : i32
      %sign3A_500 = arith.cmpi sgt, %add3A_494, %sign3A_499 : i32
      %sign3A_501 = arith.extui %sign3A_500 : i1 to i32
      %sign3A_502 = arith.constant 0 : i32
      %sign3A_503 = arith.cmpi slt, %add3A_494, %sign3A_502 : i32
      %sign3A_504 = arith.extui %sign3A_503 : i1 to i32
      %sign3A_505 = arith.subi %sign3A_501, %sign3A_504 : i32
      %sign3A_506 = arith.constant 0 : i32
      %sign3A_507 = arith.cmpi sgt, %jit3A_497, %sign3A_506 : i32
      %sign3A_508 = arith.extui %sign3A_507 : i1 to i32
      %sign3A_509 = arith.constant 0 : i32
      %sign3A_510 = arith.cmpi slt, %jit3A_497, %sign3A_509 : i32
      %sign3A_511 = arith.extui %sign3A_510 : i1 to i32
      %sign3A_512 = arith.subi %sign3A_508, %sign3A_511 : i32
      %ne3A_513 = arith.cmpi ne, %sign3A_505, %sign3A_512 : i32
      %rem3A_514 = arith.remsi %add3A_494, %jit3A_497 : i32
      %ne3A_515 = arith.constant 0 : i32
      %ne3A_516 = arith.cmpi ne, %rem3A_514, %ne3A_515 : i32
      %and3A_517 = arith.andi %ne3A_513, %ne3A_516 : i1
      %sub3A_518 = arith.constant 1 : i32
      %sub3A_519 = arith.subi %div3A_498, %sub3A_518 : i32
      %select_n3A_520 = arith.select %and3A_517, %sub3A_519, %div3A_498 : i32
      %add3A_521 = arith.addi %mul3A_496, %select_n3A_520 : i32
      %dma_wait3A_522 = arith.constant 0 : i32
      %dma_wait3A_523 = arith.constant 0 : i32
      %dma_wait3A_524 = tpu.memref_slice %arg3[%add3A_521, %dma_wait3A_522, %dma_wait3A_523] : memref<2500x2x128xi32, #tpu.memory_space<hbm>> -> memref<1x2x128xi32, #tpu.memory_space<hbm>>
      %dma_wait3A_525 = tpu.memref_squeeze %dma_wait3A_524 : memref<1x2x128xi32, #tpu.memory_space<hbm>> -> memref<2x128xi32, #tpu.memory_space<hbm>>
      %dma_wait3A_526 = arith.constant 0 : i32
      %dma_wait3A_527 = arith.constant 0 : i32
      %dma_wait3A_528 = tpu.memref_slice %arg3[%add3A_521, %dma_wait3A_526, %dma_wait3A_527] : memref<2500x2x128xi32, #tpu.memory_space<hbm>> -> memref<1x2x128xi32, #tpu.memory_space<hbm>>
      %dma_wait3A_529 = tpu.memref_squeeze %dma_wait3A_528 : memref<1x2x128xi32, #tpu.memory_space<hbm>> -> memref<2x128xi32, #tpu.memory_space<hbm>>
      tpu.wait_dma2 semaphore(%arg26 : memref<!tpu.dma_semaphore, #tpu.memory_space<semaphore_mem>>) src(%dma_wait3A_529 : memref<2x128xi32, #tpu.memory_space<hbm>>) dst(%arg10 : memref<2x128xi32, #tpu.memory_space<vmem>>)
      %add3A_530 = arith.constant 2 : i32
      %add3A_531 = arith.addi %mul3A_228, %add3A_530 : i32
      %jit3A_532 = arith.constant 2 : i32
      %eq3A_533 = arith.constant 0 : i32
      %eq3A_534 = arith.cmpi eq, %jit3A_532, %eq3A_533 : i32
      %jit3A_535 = arith.constant 1 : i32
      %select_n3A_536 = arith.select %eq3A_534, %jit3A_535, %jit3A_532 : i32
      %rem3A_537 = arith.remsi %add3A_531, %select_n3A_536 : i32
      %ne3A_538 = arith.constant 0 : i32
      %ne3A_539 = arith.cmpi ne, %rem3A_537, %ne3A_538 : i32
      %lt3A_540 = arith.constant 0 : i32
      %lt3A_541 = arith.cmpi slt, %rem3A_537, %lt3A_540 : i32
      %lt3A_542 = arith.constant 0 : i32
      %lt3A_543 = arith.cmpi slt, %select_n3A_536, %lt3A_542 : i32
      %ne3A_544 = arith.xori %lt3A_541, %lt3A_543 : i1
      %and3A_545 = arith.andi %ne3A_544, %ne3A_539 : i1
      %add3A_546 = arith.addi %rem3A_537, %select_n3A_536 : i32
      %select_n3A_547 = arith.select %and3A_545, %add3A_546, %rem3A_537 : i32
      %mul3A_548 = arith.constant 64 : i32
      %mul3A_549 = arith.muli %select_n3A_547, %mul3A_548 : i32
      %dma_start3A_550 = arith.constant 1 : i32
      %dma_start3A_551 = tpu.memref_slice %arg10[%dma_start3A_550, %mul3A_549] : memref<2x128xi32, #tpu.memory_space<vmem>> -> memref<1x64xi32, #tpu.memory_space<vmem>>
      %dma_start3A_552 = tpu.memref_squeeze %dma_start3A_551 : memref<1x64xi32, #tpu.memory_space<vmem>> -> memref<64xi32, #tpu.memory_space<vmem>>
      %dma_start3A_553 = arith.constant 0 : i32
      %dma_start3A_554 = arith.constant 0 : i32
      %dma_start3A_555 = tpu.memref_slice %arg28[%dma_start3A_553, %dma_start3A_554] : memref<10240x128xf32, #tpu.memory_space<vmem_shared>> -> memref<10240x128xf32, #tpu.memory_space<vmem_shared>>
      tpu.enqueue_indirect_dma source(%arg14 : memref<64x128xf32, #tpu.memory_space<vmem>>) target(%dma_start3A_555 : memref<10240x128xf32, #tpu.memory_space<vmem_shared>>) offsets(%dma_start3A_552 : memref<64xi32, #tpu.memory_space<vmem>>) semaphore(%arg22 : memref<!tpu.dma_semaphore, #tpu.memory_space<semaphore_mem>>) {add = true}
      %add3A_556 = arith.constant 3 : i32
      %add3A_557 = arith.addi %mul3A_228, %add3A_556 : i32
      %jit3A_558 = arith.constant 2 : i32
      %div3A_559 = arith.divsi %add3A_557, %jit3A_558 : i32
      %sign3A_560 = arith.constant 0 : i32
      %sign3A_561 = arith.cmpi sgt, %add3A_557, %sign3A_560 : i32
      %sign3A_562 = arith.extui %sign3A_561 : i1 to i32
      %sign3A_563 = arith.constant 0 : i32
      %sign3A_564 = arith.cmpi slt, %add3A_557, %sign3A_563 : i32
      %sign3A_565 = arith.extui %sign3A_564 : i1 to i32
      %sign3A_566 = arith.subi %sign3A_562, %sign3A_565 : i32
      %sign3A_567 = arith.constant 0 : i32
      %sign3A_568 = arith.cmpi sgt, %jit3A_558, %sign3A_567 : i32
      %sign3A_569 = arith.extui %sign3A_568 : i1 to i32
      %sign3A_570 = arith.constant 0 : i32
      %sign3A_571 = arith.cmpi slt, %jit3A_558, %sign3A_570 : i32
      %sign3A_572 = arith.extui %sign3A_571 : i1 to i32
      %sign3A_573 = arith.subi %sign3A_569, %sign3A_572 : i32
      %ne3A_574 = arith.cmpi ne, %sign3A_566, %sign3A_573 : i32
      %rem3A_575 = arith.remsi %add3A_557, %jit3A_558 : i32
      %ne3A_576 = arith.constant 0 : i32
      %ne3A_577 = arith.cmpi ne, %rem3A_575, %ne3A_576 : i32
      %and3A_578 = arith.andi %ne3A_574, %ne3A_577 : i1
      %sub3A_579 = arith.constant 1 : i32
      %sub3A_580 = arith.subi %div3A_559, %sub3A_579 : i32
      %select_n3A_581 = arith.select %and3A_578, %sub3A_580, %div3A_559 : i32
      %jit3A_582 = arith.constant 2 : i32
      %eq3A_583 = arith.constant 0 : i32
      %eq3A_584 = arith.cmpi eq, %jit3A_582, %eq3A_583 : i32
      %jit3A_585 = arith.constant 1 : i32
      %select_n3A_586 = arith.select %eq3A_584, %jit3A_585, %jit3A_582 : i32
      %rem3A_587 = arith.remsi %add3A_557, %select_n3A_586 : i32
      %ne3A_588 = arith.constant 0 : i32
      %ne3A_589 = arith.cmpi ne, %rem3A_587, %ne3A_588 : i32
      %lt3A_590 = arith.constant 0 : i32
      %lt3A_591 = arith.cmpi slt, %rem3A_587, %lt3A_590 : i32
      %lt3A_592 = arith.constant 0 : i32
      %lt3A_593 = arith.cmpi slt, %select_n3A_586, %lt3A_592 : i32
      %ne3A_594 = arith.xori %lt3A_591, %lt3A_593 : i1
      %and3A_595 = arith.andi %ne3A_594, %ne3A_589 : i1
      %add3A_596 = arith.addi %rem3A_587, %select_n3A_586 : i32
      %select_n3A_597 = arith.select %and3A_595, %add3A_596, %rem3A_587 : i32
      %mul3A_598 = arith.constant 64 : i32
      %mul3A_599 = arith.muli %select_n3A_597, %mul3A_598 : i32
      %dma_wait3A_600 = tpu.memref_slice %arg6[%select_n3A_581, %mul3A_599] : memref<78x128xi32, #tpu.memory_space<vmem>> -> memref<1x64xi32, #tpu.memory_space<vmem>>
      %dma_wait3A_601 = tpu.memref_squeeze %dma_wait3A_600 : memref<1x64xi32, #tpu.memory_space<vmem>> -> memref<64xi32, #tpu.memory_space<vmem>>
      %dma_wait3A_602 = arith.constant 0 : i32
      %dma_wait3A_603 = arith.constant 0 : i32
      %dma_wait3A_604 = tpu.memref_slice %arg2[%dma_wait3A_602, %dma_wait3A_603] : memref<10000x128xf32, #tpu.memory_space<hbm>> -> memref<10000x128xf32, #tpu.memory_space<hbm>>
      tpu.wait_indirect_dma semaphore(%arg19 : memref<!tpu.dma_semaphore, #tpu.memory_space<semaphore_mem>>) src(%dma_wait3A_604 : memref<10000x128xf32, #tpu.memory_space<hbm>>) dst(%arg15 : memref<64x128xf32, #tpu.memory_space<vmem>>)
      %add3A_605 = arith.constant 3 : i32
      %add3A_606 = arith.addi %mul3A_228, %add3A_605 : i32
      %mul3A_607 = arith.constant 78 : i32
      %mul3A_608 = arith.muli %add3A, %mul3A_607 : i32
      %jit3A_609 = arith.constant 2 : i32
      %div3A_610 = arith.divsi %add3A_606, %jit3A_609 : i32
      %sign3A_611 = arith.constant 0 : i32
      %sign3A_612 = arith.cmpi sgt, %add3A_606, %sign3A_611 : i32
      %sign3A_613 = arith.extui %sign3A_612 : i1 to i32
      %sign3A_614 = arith.constant 0 : i32
      %sign3A_615 = arith.cmpi slt, %add3A_606, %sign3A_614 : i32
      %sign3A_616 = arith.extui %sign3A_615 : i1 to i32
      %sign3A_617 = arith.subi %sign3A_613, %sign3A_616 : i32
      %sign3A_618 = arith.constant 0 : i32
      %sign3A_619 = arith.cmpi sgt, %jit3A_609, %sign3A_618 : i32
      %sign3A_620 = arith.extui %sign3A_619 : i1 to i32
      %sign3A_621 = arith.constant 0 : i32
      %sign3A_622 = arith.cmpi slt, %jit3A_609, %sign3A_621 : i32
      %sign3A_623 = arith.extui %sign3A_622 : i1 to i32
      %sign3A_624 = arith.subi %sign3A_620, %sign3A_623 : i32
      %ne3A_625 = arith.cmpi ne, %sign3A_617, %sign3A_624 : i32
      %rem3A_626 = arith.remsi %add3A_606, %jit3A_609 : i32
      %ne3A_627 = arith.constant 0 : i32
      %ne3A_628 = arith.cmpi ne, %rem3A_626, %ne3A_627 : i32
      %and3A_629 = arith.andi %ne3A_625, %ne3A_628 : i1
      %sub3A_630 = arith.constant 1 : i32
      %sub3A_631 = arith.subi %div3A_610, %sub3A_630 : i32
      %select_n3A_632 = arith.select %and3A_629, %sub3A_631, %div3A_610 : i32
      %add3A_633 = arith.addi %mul3A_608, %select_n3A_632 : i32
      %dma_wait3A_634 = arith.constant 0 : i32
      %dma_wait3A_635 = arith.constant 0 : i32
      %dma_wait3A_636 = tpu.memref_slice %arg3[%add3A_633, %dma_wait3A_634, %dma_wait3A_635] : memref<2500x2x128xi32, #tpu.memory_space<hbm>> -> memref<1x2x128xi32, #tpu.memory_space<hbm>>
      %dma_wait3A_637 = tpu.memref_squeeze %dma_wait3A_636 : memref<1x2x128xi32, #tpu.memory_space<hbm>> -> memref<2x128xi32, #tpu.memory_space<hbm>>
      %dma_wait3A_638 = arith.constant 0 : i32
      %dma_wait3A_639 = arith.constant 0 : i32
      %dma_wait3A_640 = tpu.memref_slice %arg3[%add3A_633, %dma_wait3A_638, %dma_wait3A_639] : memref<2500x2x128xi32, #tpu.memory_space<hbm>> -> memref<1x2x128xi32, #tpu.memory_space<hbm>>
      %dma_wait3A_641 = tpu.memref_squeeze %dma_wait3A_640 : memref<1x2x128xi32, #tpu.memory_space<hbm>> -> memref<2x128xi32, #tpu.memory_space<hbm>>
      tpu.wait_dma2 semaphore(%arg27 : memref<!tpu.dma_semaphore, #tpu.memory_space<semaphore_mem>>) src(%dma_wait3A_641 : memref<2x128xi32, #tpu.memory_space<hbm>>) dst(%arg11 : memref<2x128xi32, #tpu.memory_space<vmem>>)
      %add3A_642 = arith.constant 3 : i32
      %add3A_643 = arith.addi %mul3A_228, %add3A_642 : i32
      %jit3A_644 = arith.constant 2 : i32
      %eq3A_645 = arith.constant 0 : i32
      %eq3A_646 = arith.cmpi eq, %jit3A_644, %eq3A_645 : i32
      %jit3A_647 = arith.constant 1 : i32
      %select_n3A_648 = arith.select %eq3A_646, %jit3A_647, %jit3A_644 : i32
      %rem3A_649 = arith.remsi %add3A_643, %select_n3A_648 : i32
      %ne3A_650 = arith.constant 0 : i32
      %ne3A_651 = arith.cmpi ne, %rem3A_649, %ne3A_650 : i32
      %lt3A_652 = arith.constant 0 : i32
      %lt3A_653 = arith.cmpi slt, %rem3A_649, %lt3A_652 : i32
      %lt3A_654 = arith.constant 0 : i32
      %lt3A_655 = arith.cmpi slt, %select_n3A_648, %lt3A_654 : i32
      %ne3A_656 = arith.xori %lt3A_653, %lt3A_655 : i1
      %and3A_657 = arith.andi %ne3A_656, %ne3A_651 : i1
      %add3A_658 = arith.addi %rem3A_649, %select_n3A_648 : i32
      %select_n3A_659 = arith.select %and3A_657, %add3A_658, %rem3A_649 : i32
      %mul3A_660 = arith.constant 64 : i32
      %mul3A_661 = arith.muli %select_n3A_659, %mul3A_660 : i32
      %dma_start3A_662 = arith.constant 1 : i32
      %dma_start3A_663 = tpu.memref_slice %arg11[%dma_start3A_662, %mul3A_661] : memref<2x128xi32, #tpu.memory_space<vmem>> -> memref<1x64xi32, #tpu.memory_space<vmem>>
      %dma_start3A_664 = tpu.memref_squeeze %dma_start3A_663 : memref<1x64xi32, #tpu.memory_space<vmem>> -> memref<64xi32, #tpu.memory_space<vmem>>
      %dma_start3A_665 = arith.constant 0 : i32
      %dma_start3A_666 = arith.constant 0 : i32
      %dma_start3A_667 = tpu.memref_slice %arg28[%dma_start3A_665, %dma_start3A_666] : memref<10240x128xf32, #tpu.memory_space<vmem_shared>> -> memref<10240x128xf32, #tpu.memory_space<vmem_shared>>
      tpu.enqueue_indirect_dma source(%arg15 : memref<64x128xf32, #tpu.memory_space<vmem>>) target(%dma_start3A_667 : memref<10240x128xf32, #tpu.memory_space<vmem_shared>>) offsets(%dma_start3A_664 : memref<64xi32, #tpu.memory_space<vmem>>) semaphore(%arg23 : memref<!tpu.dma_semaphore, #tpu.memory_space<semaphore_mem>>) {add = true}
      %add3A_668 = arith.constant 0 : i32
      %add3A_669 = arith.addi %mul3A_228, %add3A_668 : i32
      %jit3A_670 = arith.constant 2 : i32
      %eq3A_671 = arith.constant 0 : i32
      %eq3A_672 = arith.cmpi eq, %jit3A_670, %eq3A_671 : i32
      %jit3A_673 = arith.constant 1 : i32
      %select_n3A_674 = arith.select %eq3A_672, %jit3A_673, %jit3A_670 : i32
      %rem3A_675 = arith.remsi %add3A_669, %select_n3A_674 : i32
      %ne3A_676 = arith.constant 0 : i32
      %ne3A_677 = arith.cmpi ne, %rem3A_675, %ne3A_676 : i32
      %lt3A_678 = arith.constant 0 : i32
      %lt3A_679 = arith.cmpi slt, %rem3A_675, %lt3A_678 : i32
      %lt3A_680 = arith.constant 0 : i32
      %lt3A_681 = arith.cmpi slt, %select_n3A_674, %lt3A_680 : i32
      %ne3A_682 = arith.xori %lt3A_679, %lt3A_681 : i1
      %and3A_683 = arith.andi %ne3A_682, %ne3A_677 : i1
      %add3A_684 = arith.addi %rem3A_675, %select_n3A_674 : i32
      %select_n3A_685 = arith.select %and3A_683, %add3A_684, %rem3A_675 : i32
      %mul3A_686 = arith.constant 64 : i32
      %mul3A_687 = arith.muli %select_n3A_685, %mul3A_686 : i32
      %dma_wait3A_688 = arith.constant 1 : i32
      %dma_wait3A_689 = tpu.memref_slice %arg8[%dma_wait3A_688, %mul3A_687] : memref<2x128xi32, #tpu.memory_space<vmem>> -> memref<1x64xi32, #tpu.memory_space<vmem>>
      %dma_wait3A_690 = tpu.memref_squeeze %dma_wait3A_689 : memref<1x64xi32, #tpu.memory_space<vmem>> -> memref<64xi32, #tpu.memory_space<vmem>>
      %dma_wait3A_691 = arith.constant 0 : i32
      %dma_wait3A_692 = arith.constant 0 : i32
      %dma_wait3A_693 = tpu.memref_slice %arg28[%dma_wait3A_691, %dma_wait3A_692] : memref<10240x128xf32, #tpu.memory_space<vmem_shared>> -> memref<10240x128xf32, #tpu.memory_space<vmem_shared>>
      tpu.wait_indirect_dma semaphore(%arg20 : memref<!tpu.dma_semaphore, #tpu.memory_space<semaphore_mem>>) src(%arg12 : memref<64x128xf32, #tpu.memory_space<vmem>>) dst(%dma_wait3A_693 : memref<10240x128xf32, #tpu.memory_space<vmem_shared>>)
      %add3A_694 = arith.constant 4 : i32
      %add3A_695 = arith.addi %mul3A_228, %add3A_694 : i32
      %add3A_696 = arith.constant 0 : i32
      %add3A_697 = arith.addi %add3A_695, %add3A_696 : i32
      %jit3A_698 = arith.constant 2 : i32
      %div3A_699 = arith.divsi %add3A_697, %jit3A_698 : i32
      %sign3A_700 = arith.constant 0 : i32
      %sign3A_701 = arith.cmpi sgt, %add3A_697, %sign3A_700 : i32
      %sign3A_702 = arith.extui %sign3A_701 : i1 to i32
      %sign3A_703 = arith.constant 0 : i32
      %sign3A_704 = arith.cmpi slt, %add3A_697, %sign3A_703 : i32
      %sign3A_705 = arith.extui %sign3A_704 : i1 to i32
      %sign3A_706 = arith.subi %sign3A_702, %sign3A_705 : i32
      %sign3A_707 = arith.constant 0 : i32
      %sign3A_708 = arith.cmpi sgt, %jit3A_698, %sign3A_707 : i32
      %sign3A_709 = arith.extui %sign3A_708 : i1 to i32
      %sign3A_710 = arith.constant 0 : i32
      %sign3A_711 = arith.cmpi slt, %jit3A_698, %sign3A_710 : i32
      %sign3A_712 = arith.extui %sign3A_711 : i1 to i32
      %sign3A_713 = arith.subi %sign3A_709, %sign3A_712 : i32
      %ne3A_714 = arith.cmpi ne, %sign3A_706, %sign3A_713 : i32
      %rem3A_715 = arith.remsi %add3A_697, %jit3A_698 : i32
      %ne3A_716 = arith.constant 0 : i32
      %ne3A_717 = arith.cmpi ne, %rem3A_715, %ne3A_716 : i32
      %and3A_718 = arith.andi %ne3A_714, %ne3A_717 : i1
      %sub3A_719 = arith.constant 1 : i32
      %sub3A_720 = arith.subi %div3A_699, %sub3A_719 : i32
      %select_n3A_721 = arith.select %and3A_718, %sub3A_720, %div3A_699 : i32
      %jit3A_722 = arith.constant 2 : i32
      %eq3A_723 = arith.constant 0 : i32
      %eq3A_724 = arith.cmpi eq, %jit3A_722, %eq3A_723 : i32
      %jit3A_725 = arith.constant 1 : i32
      %select_n3A_726 = arith.select %eq3A_724, %jit3A_725, %jit3A_722 : i32
      %rem3A_727 = arith.remsi %add3A_697, %select_n3A_726 : i32
      %ne3A_728 = arith.constant 0 : i32
      %ne3A_729 = arith.cmpi ne, %rem3A_727, %ne3A_728 : i32
      %lt3A_730 = arith.constant 0 : i32
      %lt3A_731 = arith.cmpi slt, %rem3A_727, %lt3A_730 : i32
      %lt3A_732 = arith.constant 0 : i32
      %lt3A_733 = arith.cmpi slt, %select_n3A_726, %lt3A_732 : i32
      %ne3A_734 = arith.xori %lt3A_731, %lt3A_733 : i1
      %and3A_735 = arith.andi %ne3A_734, %ne3A_729 : i1
      %add3A_736 = arith.addi %rem3A_727, %select_n3A_726 : i32
      %select_n3A_737 = arith.select %and3A_735, %add3A_736, %rem3A_727 : i32
      %mul3A_738 = arith.constant 64 : i32
      %mul3A_739 = arith.muli %select_n3A_737, %mul3A_738 : i32
      %dma_start3A_740 = tpu.memref_slice %arg6[%select_n3A_721, %mul3A_739] : memref<78x128xi32, #tpu.memory_space<vmem>> -> memref<1x64xi32, #tpu.memory_space<vmem>>
      %dma_start3A_741 = tpu.memref_squeeze %dma_start3A_740 : memref<1x64xi32, #tpu.memory_space<vmem>> -> memref<64xi32, #tpu.memory_space<vmem>>
      %dma_start3A_742 = arith.constant 0 : i32
      %dma_start3A_743 = arith.constant 0 : i32
      %dma_start3A_744 = tpu.memref_slice %arg2[%dma_start3A_742, %dma_start3A_743] : memref<10000x128xf32, #tpu.memory_space<hbm>> -> memref<10000x128xf32, #tpu.memory_space<hbm>>
      tpu.enqueue_indirect_dma source(%dma_start3A_744 : memref<10000x128xf32, #tpu.memory_space<hbm>>) target(%arg12 : memref<64x128xf32, #tpu.memory_space<vmem>>) offsets(%dma_start3A_741 : memref<64xi32, #tpu.memory_space<vmem>>) semaphore(%arg16 : memref<!tpu.dma_semaphore, #tpu.memory_space<semaphore_mem>>)
      %add3A_745 = arith.constant 4 : i32
      %add3A_746 = arith.addi %mul3A_228, %add3A_745 : i32
      %add3A_747 = arith.constant 0 : i32
      %add3A_748 = arith.addi %add3A_746, %add3A_747 : i32
      %mul3A_749 = arith.constant 78 : i32
      %mul3A_750 = arith.muli %add3A, %mul3A_749 : i32
      %jit3A_751 = arith.constant 2 : i32
      %div3A_752 = arith.divsi %add3A_748, %jit3A_751 : i32
      %sign3A_753 = arith.constant 0 : i32
      %sign3A_754 = arith.cmpi sgt, %add3A_748, %sign3A_753 : i32
      %sign3A_755 = arith.extui %sign3A_754 : i1 to i32
      %sign3A_756 = arith.constant 0 : i32
      %sign3A_757 = arith.cmpi slt, %add3A_748, %sign3A_756 : i32
      %sign3A_758 = arith.extui %sign3A_757 : i1 to i32
      %sign3A_759 = arith.subi %sign3A_755, %sign3A_758 : i32
      %sign3A_760 = arith.constant 0 : i32
      %sign3A_761 = arith.cmpi sgt, %jit3A_751, %sign3A_760 : i32
      %sign3A_762 = arith.extui %sign3A_761 : i1 to i32
      %sign3A_763 = arith.constant 0 : i32
      %sign3A_764 = arith.cmpi slt, %jit3A_751, %sign3A_763 : i32
      %sign3A_765 = arith.extui %sign3A_764 : i1 to i32
      %sign3A_766 = arith.subi %sign3A_762, %sign3A_765 : i32
      %ne3A_767 = arith.cmpi ne, %sign3A_759, %sign3A_766 : i32
      %rem3A_768 = arith.remsi %add3A_748, %jit3A_751 : i32
      %ne3A_769 = arith.constant 0 : i32
      %ne3A_770 = arith.cmpi ne, %rem3A_768, %ne3A_769 : i32
      %and3A_771 = arith.andi %ne3A_767, %ne3A_770 : i1
      %sub3A_772 = arith.constant 1 : i32
      %sub3A_773 = arith.subi %div3A_752, %sub3A_772 : i32
      %select_n3A_774 = arith.select %and3A_771, %sub3A_773, %div3A_752 : i32
      %add3A_775 = arith.addi %mul3A_750, %select_n3A_774 : i32
      %dma_start3A_776 = arith.constant 0 : i32
      %dma_start3A_777 = arith.constant 0 : i32
      %dma_start3A_778 = tpu.memref_slice %arg3[%add3A_775, %dma_start3A_776, %dma_start3A_777] : memref<2500x2x128xi32, #tpu.memory_space<hbm>> -> memref<1x2x128xi32, #tpu.memory_space<hbm>>
      %dma_start3A_779 = tpu.memref_squeeze %dma_start3A_778 : memref<1x2x128xi32, #tpu.memory_space<hbm>> -> memref<2x128xi32, #tpu.memory_space<hbm>>
      %dma_start3A_780 = arith.constant 0 : i32
      %dma_start3A_781 = arith.constant 0 : i32
      %dma_start3A_782 = tpu.memref_slice %arg3[%add3A_775, %dma_start3A_780, %dma_start3A_781] : memref<2500x2x128xi32, #tpu.memory_space<hbm>> -> memref<1x2x128xi32, #tpu.memory_space<hbm>>
      %dma_start3A_783 = tpu.memref_squeeze %dma_start3A_782 : memref<1x2x128xi32, #tpu.memory_space<hbm>> -> memref<2x128xi32, #tpu.memory_space<hbm>>
      tpu.enqueue_dma source(%dma_start3A_783 : memref<2x128xi32, #tpu.memory_space<hbm>>) target(%arg8 : memref<2x128xi32, #tpu.memory_space<vmem>>) target_semaphore(%arg24 : memref<!tpu.dma_semaphore, #tpu.memory_space<semaphore_mem>>)
      %add3A_784 = arith.constant 1 : i32
      %add3A_785 = arith.addi %mul3A_228, %add3A_784 : i32
      %jit3A_786 = arith.constant 2 : i32
      %eq3A_787 = arith.constant 0 : i32
      %eq3A_788 = arith.cmpi eq, %jit3A_786, %eq3A_787 : i32
      %jit3A_789 = arith.constant 1 : i32
      %select_n3A_790 = arith.select %eq3A_788, %jit3A_789, %jit3A_786 : i32
      %rem3A_791 = arith.remsi %add3A_785, %select_n3A_790 : i32
      %ne3A_792 = arith.constant 0 : i32
      %ne3A_793 = arith.cmpi ne, %rem3A_791, %ne3A_792 : i32
      %lt3A_794 = arith.constant 0 : i32
      %lt3A_795 = arith.cmpi slt, %rem3A_791, %lt3A_794 : i32
      %lt3A_796 = arith.constant 0 : i32
      %lt3A_797 = arith.cmpi slt, %select_n3A_790, %lt3A_796 : i32
      %ne3A_798 = arith.xori %lt3A_795, %lt3A_797 : i1
      %and3A_799 = arith.andi %ne3A_798, %ne3A_793 : i1
      %add3A_800 = arith.addi %rem3A_791, %select_n3A_790 : i32
      %select_n3A_801 = arith.select %and3A_799, %add3A_800, %rem3A_791 : i32
      %mul3A_802 = arith.constant 64 : i32
      %mul3A_803 = arith.muli %select_n3A_801, %mul3A_802 : i32
      %dma_wait3A_804 = arith.constant 1 : i32
      %dma_wait3A_805 = tpu.memref_slice %arg9[%dma_wait3A_804, %mul3A_803] : memref<2x128xi32, #tpu.memory_space<vmem>> -> memref<1x64xi32, #tpu.memory_space<vmem>>
      %dma_wait3A_806 = tpu.memref_squeeze %dma_wait3A_805 : memref<1x64xi32, #tpu.memory_space<vmem>> -> memref<64xi32, #tpu.memory_space<vmem>>
      %dma_wait3A_807 = arith.constant 0 : i32
      %dma_wait3A_808 = arith.constant 0 : i32
      %dma_wait3A_809 = tpu.memref_slice %arg28[%dma_wait3A_807, %dma_wait3A_808] : memref<10240x128xf32, #tpu.memory_space<vmem_shared>> -> memref<10240x128xf32, #tpu.memory_space<vmem_shared>>
      tpu.wait_indirect_dma semaphore(%arg21 : memref<!tpu.dma_semaphore, #tpu.memory_space<semaphore_mem>>) src(%arg13 : memref<64x128xf32, #tpu.memory_space<vmem>>) dst(%dma_wait3A_809 : memref<10240x128xf32, #tpu.memory_space<vmem_shared>>)
      %add3A_810 = arith.constant 4 : i32
      %add3A_811 = arith.addi %mul3A_228, %add3A_810 : i32
      %add3A_812 = arith.constant 1 : i32
      %add3A_813 = arith.addi %add3A_811, %add3A_812 : i32
      %jit3A_814 = arith.constant 2 : i32
      %div3A_815 = arith.divsi %add3A_813, %jit3A_814 : i32
      %sign3A_816 = arith.constant 0 : i32
      %sign3A_817 = arith.cmpi sgt, %add3A_813, %sign3A_816 : i32
      %sign3A_818 = arith.extui %sign3A_817 : i1 to i32
      %sign3A_819 = arith.constant 0 : i32
      %sign3A_820 = arith.cmpi slt, %add3A_813, %sign3A_819 : i32
      %sign3A_821 = arith.extui %sign3A_820 : i1 to i32
      %sign3A_822 = arith.subi %sign3A_818, %sign3A_821 : i32
      %sign3A_823 = arith.constant 0 : i32
      %sign3A_824 = arith.cmpi sgt, %jit3A_814, %sign3A_823 : i32
      %sign3A_825 = arith.extui %sign3A_824 : i1 to i32
      %sign3A_826 = arith.constant 0 : i32
      %sign3A_827 = arith.cmpi slt, %jit3A_814, %sign3A_826 : i32
      %sign3A_828 = arith.extui %sign3A_827 : i1 to i32
      %sign3A_829 = arith.subi %sign3A_825, %sign3A_828 : i32
      %ne3A_830 = arith.cmpi ne, %sign3A_822, %sign3A_829 : i32
      %rem3A_831 = arith.remsi %add3A_813, %jit3A_814 : i32
      %ne3A_832 = arith.constant 0 : i32
      %ne3A_833 = arith.cmpi ne, %rem3A_831, %ne3A_832 : i32
      %and3A_834 = arith.andi %ne3A_830, %ne3A_833 : i1
      %sub3A_835 = arith.constant 1 : i32
      %sub3A_836 = arith.subi %div3A_815, %sub3A_835 : i32
      %select_n3A_837 = arith.select %and3A_834, %sub3A_836, %div3A_815 : i32
      %jit3A_838 = arith.constant 2 : i32
      %eq3A_839 = arith.constant 0 : i32
      %eq3A_840 = arith.cmpi eq, %jit3A_838, %eq3A_839 : i32
      %jit3A_841 = arith.constant 1 : i32
      %select_n3A_842 = arith.select %eq3A_840, %jit3A_841, %jit3A_838 : i32
      %rem3A_843 = arith.remsi %add3A_813, %select_n3A_842 : i32
      %ne3A_844 = arith.constant 0 : i32
      %ne3A_845 = arith.cmpi ne, %rem3A_843, %ne3A_844 : i32
      %lt3A_846 = arith.constant 0 : i32
      %lt3A_847 = arith.cmpi slt, %rem3A_843, %lt3A_846 : i32
      %lt3A_848 = arith.constant 0 : i32
      %lt3A_849 = arith.cmpi slt, %select_n3A_842, %lt3A_848 : i32
      %ne3A_850 = arith.xori %lt3A_847, %lt3A_849 : i1
      %and3A_851 = arith.andi %ne3A_850, %ne3A_845 : i1
      %add3A_852 = arith.addi %rem3A_843, %select_n3A_842 : i32
      %select_n3A_853 = arith.select %and3A_851, %add3A_852, %rem3A_843 : i32
      %mul3A_854 = arith.constant 64 : i32
      %mul3A_855 = arith.muli %select_n3A_853, %mul3A_854 : i32
      %dma_start3A_856 = tpu.memref_slice %arg6[%select_n3A_837, %mul3A_855] : memref<78x128xi32, #tpu.memory_space<vmem>> -> memref<1x64xi32, #tpu.memory_space<vmem>>
      %dma_start3A_857 = tpu.memref_squeeze %dma_start3A_856 : memref<1x64xi32, #tpu.memory_space<vmem>> -> memref<64xi32, #tpu.memory_space<vmem>>
      %dma_start3A_858 = arith.constant 0 : i32
      %dma_start3A_859 = arith.constant 0 : i32
      %dma_start3A_860 = tpu.memref_slice %arg2[%dma_start3A_858, %dma_start3A_859] : memref<10000x128xf32, #tpu.memory_space<hbm>> -> memref<10000x128xf32, #tpu.memory_space<hbm>>
      tpu.enqueue_indirect_dma source(%dma_start3A_860 : memref<10000x128xf32, #tpu.memory_space<hbm>>) target(%arg13 : memref<64x128xf32, #tpu.memory_space<vmem>>) offsets(%dma_start3A_857 : memref<64xi32, #tpu.memory_space<vmem>>) semaphore(%arg17 : memref<!tpu.dma_semaphore, #tpu.memory_space<semaphore_mem>>)
      %add3A_861 = arith.constant 4 : i32
      %add3A_862 = arith.addi %mul3A_228, %add3A_861 : i32
      %add3A_863 = arith.constant 1 : i32
      %add3A_864 = arith.addi %add3A_862, %add3A_863 : i32
      %mul3A_865 = arith.constant 78 : i32
      %mul3A_866 = arith.muli %add3A, %mul3A_865 : i32
      %jit3A_867 = arith.constant 2 : i32
      %div3A_868 = arith.divsi %add3A_864, %jit3A_867 : i32
      %sign3A_869 = arith.constant 0 : i32
      %sign3A_870 = arith.cmpi sgt, %add3A_864, %sign3A_869 : i32
      %sign3A_871 = arith.extui %sign3A_870 : i1 to i32
      %sign3A_872 = arith.constant 0 : i32
      %sign3A_873 = arith.cmpi slt, %add3A_864, %sign3A_872 : i32
      %sign3A_874 = arith.extui %sign3A_873 : i1 to i32
      %sign3A_875 = arith.subi %sign3A_871, %sign3A_874 : i32
      %sign3A_876 = arith.constant 0 : i32
      %sign3A_877 = arith.cmpi sgt, %jit3A_867, %sign3A_876 : i32
      %sign3A_878 = arith.extui %sign3A_877 : i1 to i32
      %sign3A_879 = arith.constant 0 : i32
      %sign3A_880 = arith.cmpi slt, %jit3A_867, %sign3A_879 : i32
      %sign3A_881 = arith.extui %sign3A_880 : i1 to i32
      %sign3A_882 = arith.subi %sign3A_878, %sign3A_881 : i32
      %ne3A_883 = arith.cmpi ne, %sign3A_875, %sign3A_882 : i32
      %rem3A_884 = arith.remsi %add3A_864, %jit3A_867 : i32
      %ne3A_885 = arith.constant 0 : i32
      %ne3A_886 = arith.cmpi ne, %rem3A_884, %ne3A_885 : i32
      %and3A_887 = arith.andi %ne3A_883, %ne3A_886 : i1
      %sub3A_888 = arith.constant 1 : i32
      %sub3A_889 = arith.subi %div3A_868, %sub3A_888 : i32
      %select_n3A_890 = arith.select %and3A_887, %sub3A_889, %div3A_868 : i32
      %add3A_891 = arith.addi %mul3A_866, %select_n3A_890 : i32
      %dma_start3A_892 = arith.constant 0 : i32
      %dma_start3A_893 = arith.constant 0 : i32
      %dma_start3A_894 = tpu.memref_slice %arg3[%add3A_891, %dma_start3A_892, %dma_start3A_893] : memref<2500x2x128xi32, #tpu.memory_space<hbm>> -> memref<1x2x128xi32, #tpu.memory_space<hbm>>
      %dma_start3A_895 = tpu.memref_squeeze %dma_start3A_894 : memref<1x2x128xi32, #tpu.memory_space<hbm>> -> memref<2x128xi32, #tpu.memory_space<hbm>>
      %dma_start3A_896 = arith.constant 0 : i32
      %dma_start3A_897 = arith.constant 0 : i32
      %dma_start3A_898 = tpu.memref_slice %arg3[%add3A_891, %dma_start3A_896, %dma_start3A_897] : memref<2500x2x128xi32, #tpu.memory_space<hbm>> -> memref<1x2x128xi32, #tpu.memory_space<hbm>>
      %dma_start3A_899 = tpu.memref_squeeze %dma_start3A_898 : memref<1x2x128xi32, #tpu.memory_space<hbm>> -> memref<2x128xi32, #tpu.memory_space<hbm>>
      tpu.enqueue_dma source(%dma_start3A_899 : memref<2x128xi32, #tpu.memory_space<hbm>>) target(%arg9 : memref<2x128xi32, #tpu.memory_space<vmem>>) target_semaphore(%arg25 : memref<!tpu.dma_semaphore, #tpu.memory_space<semaphore_mem>>)
      %add3A_900 = arith.constant 2 : i32
      %add3A_901 = arith.addi %mul3A_228, %add3A_900 : i32
      %jit3A_902 = arith.constant 2 : i32
      %eq3A_903 = arith.constant 0 : i32
      %eq3A_904 = arith.cmpi eq, %jit3A_902, %eq3A_903 : i32
      %jit3A_905 = arith.constant 1 : i32
      %select_n3A_906 = arith.select %eq3A_904, %jit3A_905, %jit3A_902 : i32
      %rem3A_907 = arith.remsi %add3A_901, %select_n3A_906 : i32
      %ne3A_908 = arith.constant 0 : i32
      %ne3A_909 = arith.cmpi ne, %rem3A_907, %ne3A_908 : i32
      %lt3A_910 = arith.constant 0 : i32
      %lt3A_911 = arith.cmpi slt, %rem3A_907, %lt3A_910 : i32
      %lt3A_912 = arith.constant 0 : i32
      %lt3A_913 = arith.cmpi slt, %select_n3A_906, %lt3A_912 : i32
      %ne3A_914 = arith.xori %lt3A_911, %lt3A_913 : i1
      %and3A_915 = arith.andi %ne3A_914, %ne3A_909 : i1
      %add3A_916 = arith.addi %rem3A_907, %select_n3A_906 : i32
      %select_n3A_917 = arith.select %and3A_915, %add3A_916, %rem3A_907 : i32
      %mul3A_918 = arith.constant 64 : i32
      %mul3A_919 = arith.muli %select_n3A_917, %mul3A_918 : i32
      %dma_wait3A_920 = arith.constant 1 : i32
      %dma_wait3A_921 = tpu.memref_slice %arg10[%dma_wait3A_920, %mul3A_919] : memref<2x128xi32, #tpu.memory_space<vmem>> -> memref<1x64xi32, #tpu.memory_space<vmem>>
      %dma_wait3A_922 = tpu.memref_squeeze %dma_wait3A_921 : memref<1x64xi32, #tpu.memory_space<vmem>> -> memref<64xi32, #tpu.memory_space<vmem>>
      %dma_wait3A_923 = arith.constant 0 : i32
      %dma_wait3A_924 = arith.constant 0 : i32
      %dma_wait3A_925 = tpu.memref_slice %arg28[%dma_wait3A_923, %dma_wait3A_924] : memref<10240x128xf32, #tpu.memory_space<vmem_shared>> -> memref<10240x128xf32, #tpu.memory_space<vmem_shared>>
      tpu.wait_indirect_dma semaphore(%arg22 : memref<!tpu.dma_semaphore, #tpu.memory_space<semaphore_mem>>) src(%arg14 : memref<64x128xf32, #tpu.memory_space<vmem>>) dst(%dma_wait3A_925 : memref<10240x128xf32, #tpu.memory_space<vmem_shared>>)
      %add3A_926 = arith.constant 4 : i32
      %add3A_927 = arith.addi %mul3A_228, %add3A_926 : i32
      %add3A_928 = arith.constant 2 : i32
      %add3A_929 = arith.addi %add3A_927, %add3A_928 : i32
      %jit3A_930 = arith.constant 2 : i32
      %div3A_931 = arith.divsi %add3A_929, %jit3A_930 : i32
      %sign3A_932 = arith.constant 0 : i32
      %sign3A_933 = arith.cmpi sgt, %add3A_929, %sign3A_932 : i32
      %sign3A_934 = arith.extui %sign3A_933 : i1 to i32
      %sign3A_935 = arith.constant 0 : i32
      %sign3A_936 = arith.cmpi slt, %add3A_929, %sign3A_935 : i32
      %sign3A_937 = arith.extui %sign3A_936 : i1 to i32
      %sign3A_938 = arith.subi %sign3A_934, %sign3A_937 : i32
      %sign3A_939 = arith.constant 0 : i32
      %sign3A_940 = arith.cmpi sgt, %jit3A_930, %sign3A_939 : i32
      %sign3A_941 = arith.extui %sign3A_940 : i1 to i32
      %sign3A_942 = arith.constant 0 : i32
      %sign3A_943 = arith.cmpi slt, %jit3A_930, %sign3A_942 : i32
      %sign3A_944 = arith.extui %sign3A_943 : i1 to i32
      %sign3A_945 = arith.subi %sign3A_941, %sign3A_944 : i32
      %ne3A_946 = arith.cmpi ne, %sign3A_938, %sign3A_945 : i32
      %rem3A_947 = arith.remsi %add3A_929, %jit3A_930 : i32
      %ne3A_948 = arith.constant 0 : i32
      %ne3A_949 = arith.cmpi ne, %rem3A_947, %ne3A_948 : i32
      %and3A_950 = arith.andi %ne3A_946, %ne3A_949 : i1
      %sub3A_951 = arith.constant 1 : i32
      %sub3A_952 = arith.subi %div3A_931, %sub3A_951 : i32
      %select_n3A_953 = arith.select %and3A_950, %sub3A_952, %div3A_931 : i32
      %jit3A_954 = arith.constant 2 : i32
      %eq3A_955 = arith.constant 0 : i32
      %eq3A_956 = arith.cmpi eq, %jit3A_954, %eq3A_955 : i32
      %jit3A_957 = arith.constant 1 : i32
      %select_n3A_958 = arith.select %eq3A_956, %jit3A_957, %jit3A_954 : i32
      %rem3A_959 = arith.remsi %add3A_929, %select_n3A_958 : i32
      %ne3A_960 = arith.constant 0 : i32
      %ne3A_961 = arith.cmpi ne, %rem3A_959, %ne3A_960 : i32
      %lt3A_962 = arith.constant 0 : i32
      %lt3A_963 = arith.cmpi slt, %rem3A_959, %lt3A_962 : i32
      %lt3A_964 = arith.constant 0 : i32
      %lt3A_965 = arith.cmpi slt, %select_n3A_958, %lt3A_964 : i32
      %ne3A_966 = arith.xori %lt3A_963, %lt3A_965 : i1
      %and3A_967 = arith.andi %ne3A_966, %ne3A_961 : i1
      %add3A_968 = arith.addi %rem3A_959, %select_n3A_958 : i32
      %select_n3A_969 = arith.select %and3A_967, %add3A_968, %rem3A_959 : i32
      %mul3A_970 = arith.constant 64 : i32
      %mul3A_971 = arith.muli %select_n3A_969, %mul3A_970 : i32
      %dma_start3A_972 = tpu.memref_slice %arg6[%select_n3A_953, %mul3A_971] : memref<78x128xi32, #tpu.memory_space<vmem>> -> memref<1x64xi32, #tpu.memory_space<vmem>>
      %dma_start3A_973 = tpu.memref_squeeze %dma_start3A_972 : memref<1x64xi32, #tpu.memory_space<vmem>> -> memref<64xi32, #tpu.memory_space<vmem>>
      %dma_start3A_974 = arith.constant 0 : i32
      %dma_start3A_975 = arith.constant 0 : i32
      %dma_start3A_976 = tpu.memref_slice %arg2[%dma_start3A_974, %dma_start3A_975] : memref<10000x128xf32, #tpu.memory_space<hbm>> -> memref<10000x128xf32, #tpu.memory_space<hbm>>
      tpu.enqueue_indirect_dma source(%dma_start3A_976 : memref<10000x128xf32, #tpu.memory_space<hbm>>) target(%arg14 : memref<64x128xf32, #tpu.memory_space<vmem>>) offsets(%dma_start3A_973 : memref<64xi32, #tpu.memory_space<vmem>>) semaphore(%arg18 : memref<!tpu.dma_semaphore, #tpu.memory_space<semaphore_mem>>)
      %add3A_977 = arith.constant 4 : i32
      %add3A_978 = arith.addi %mul3A_228, %add3A_977 : i32
      %add3A_979 = arith.constant 2 : i32
      %add3A_980 = arith.addi %add3A_978, %add3A_979 : i32
      %mul3A_981 = arith.constant 78 : i32
      %mul3A_982 = arith.muli %add3A, %mul3A_981 : i32
      %jit3A_983 = arith.constant 2 : i32
      %div3A_984 = arith.divsi %add3A_980, %jit3A_983 : i32
      %sign3A_985 = arith.constant 0 : i32
      %sign3A_986 = arith.cmpi sgt, %add3A_980, %sign3A_985 : i32
      %sign3A_987 = arith.extui %sign3A_986 : i1 to i32
      %sign3A_988 = arith.constant 0 : i32
      %sign3A_989 = arith.cmpi slt, %add3A_980, %sign3A_988 : i32
      %sign3A_990 = arith.extui %sign3A_989 : i1 to i32
      %sign3A_991 = arith.subi %sign3A_987, %sign3A_990 : i32
      %sign3A_992 = arith.constant 0 : i32
      %sign3A_993 = arith.cmpi sgt, %jit3A_983, %sign3A_992 : i32
      %sign3A_994 = arith.extui %sign3A_993 : i1 to i32
      %sign3A_995 = arith.constant 0 : i32
      %sign3A_996 = arith.cmpi slt, %jit3A_983, %sign3A_995 : i32
      %sign3A_997 = arith.extui %sign3A_996 : i1 to i32
      %sign3A_998 = arith.subi %sign3A_994, %sign3A_997 : i32
      %ne3A_999 = arith.cmpi ne, %sign3A_991, %sign3A_998 : i32
      %rem3A_1000 = arith.remsi %add3A_980, %jit3A_983 : i32
      %ne3A_1001 = arith.constant 0 : i32
      %ne3A_1002 = arith.cmpi ne, %rem3A_1000, %ne3A_1001 : i32
      %and3A_1003 = arith.andi %ne3A_999, %ne3A_1002 : i1
      %sub3A_1004 = arith.constant 1 : i32
      %sub3A_1005 = arith.subi %div3A_984, %sub3A_1004 : i32
      %select_n3A_1006 = arith.select %and3A_1003, %sub3A_1005, %div3A_984 : i32
      %add3A_1007 = arith.addi %mul3A_982, %select_n3A_1006 : i32
      %dma_start3A_1008 = arith.constant 0 : i32
      %dma_start3A_1009 = arith.constant 0 : i32
      %dma_start3A_1010 = tpu.memref_slice %arg3[%add3A_1007, %dma_start3A_1008, %dma_start3A_1009] : memref<2500x2x128xi32, #tpu.memory_space<hbm>> -> memref<1x2x128xi32, #tpu.memory_space<hbm>>
      %dma_start3A_1011 = tpu.memref_squeeze %dma_start3A_1010 : memref<1x2x128xi32, #tpu.memory_space<hbm>> -> memref<2x128xi32, #tpu.memory_space<hbm>>
      %dma_start3A_1012 = arith.constant 0 : i32
      %dma_start3A_1013 = arith.constant 0 : i32
      %dma_start3A_1014 = tpu.memref_slice %arg3[%add3A_1007, %dma_start3A_1012, %dma_start3A_1013] : memref<2500x2x128xi32, #tpu.memory_space<hbm>> -> memref<1x2x128xi32, #tpu.memory_space<hbm>>
      %dma_start3A_1015 = tpu.memref_squeeze %dma_start3A_1014 : memref<1x2x128xi32, #tpu.memory_space<hbm>> -> memref<2x128xi32, #tpu.memory_space<hbm>>
      tpu.enqueue_dma source(%dma_start3A_1015 : memref<2x128xi32, #tpu.memory_space<hbm>>) target(%arg10 : memref<2x128xi32, #tpu.memory_space<vmem>>) target_semaphore(%arg26 : memref<!tpu.dma_semaphore, #tpu.memory_space<semaphore_mem>>)
      %add3A_1016 = arith.constant 3 : i32
      %add3A_1017 = arith.addi %mul3A_228, %add3A_1016 : i32
      %jit3A_1018 = arith.constant 2 : i32
      %eq3A_1019 = arith.constant 0 : i32
      %eq3A_1020 = arith.cmpi eq, %jit3A_1018, %eq3A_1019 : i32
      %jit3A_1021 = arith.constant 1 : i32
      %select_n3A_1022 = arith.select %eq3A_1020, %jit3A_1021, %jit3A_1018 : i32
      %rem3A_1023 = arith.remsi %add3A_1017, %select_n3A_1022 : i32
      %ne3A_1024 = arith.constant 0 : i32
      %ne3A_1025 = arith.cmpi ne, %rem3A_1023, %ne3A_1024 : i32
      %lt3A_1026 = arith.constant 0 : i32
      %lt3A_1027 = arith.cmpi slt, %rem3A_1023, %lt3A_1026 : i32
      %lt3A_1028 = arith.constant 0 : i32
      %lt3A_1029 = arith.cmpi slt, %select_n3A_1022, %lt3A_1028 : i32
      %ne3A_1030 = arith.xori %lt3A_1027, %lt3A_1029 : i1
      %and3A_1031 = arith.andi %ne3A_1030, %ne3A_1025 : i1
      %add3A_1032 = arith.addi %rem3A_1023, %select_n3A_1022 : i32
      %select_n3A_1033 = arith.select %and3A_1031, %add3A_1032, %rem3A_1023 : i32
      %mul3A_1034 = arith.constant 64 : i32
      %mul3A_1035 = arith.muli %select_n3A_1033, %mul3A_1034 : i32
      %dma_wait3A_1036 = arith.constant 1 : i32
      %dma_wait3A_1037 = tpu.memref_slice %arg11[%dma_wait3A_1036, %mul3A_1035] : memref<2x128xi32, #tpu.memory_space<vmem>> -> memref<1x64xi32, #tpu.memory_space<vmem>>
      %dma_wait3A_1038 = tpu.memref_squeeze %dma_wait3A_1037 : memref<1x64xi32, #tpu.memory_space<vmem>> -> memref<64xi32, #tpu.memory_space<vmem>>
      %dma_wait3A_1039 = arith.constant 0 : i32
      %dma_wait3A_1040 = arith.constant 0 : i32
      %dma_wait3A_1041 = tpu.memref_slice %arg28[%dma_wait3A_1039, %dma_wait3A_1040] : memref<10240x128xf32, #tpu.memory_space<vmem_shared>> -> memref<10240x128xf32, #tpu.memory_space<vmem_shared>>
      tpu.wait_indirect_dma semaphore(%arg23 : memref<!tpu.dma_semaphore, #tpu.memory_space<semaphore_mem>>) src(%arg15 : memref<64x128xf32, #tpu.memory_space<vmem>>) dst(%dma_wait3A_1041 : memref<10240x128xf32, #tpu.memory_space<vmem_shared>>)
      %add3A_1042 = arith.constant 4 : i32
      %add3A_1043 = arith.addi %mul3A_228, %add3A_1042 : i32
      %add3A_1044 = arith.constant 3 : i32
      %add3A_1045 = arith.addi %add3A_1043, %add3A_1044 : i32
      %jit3A_1046 = arith.constant 2 : i32
      %div3A_1047 = arith.divsi %add3A_1045, %jit3A_1046 : i32
      %sign3A_1048 = arith.constant 0 : i32
      %sign3A_1049 = arith.cmpi sgt, %add3A_1045, %sign3A_1048 : i32
      %sign3A_1050 = arith.extui %sign3A_1049 : i1 to i32
      %sign3A_1051 = arith.constant 0 : i32
      %sign3A_1052 = arith.cmpi slt, %add3A_1045, %sign3A_1051 : i32
      %sign3A_1053 = arith.extui %sign3A_1052 : i1 to i32
      %sign3A_1054 = arith.subi %sign3A_1050, %sign3A_1053 : i32
      %sign3A_1055 = arith.constant 0 : i32
      %sign3A_1056 = arith.cmpi sgt, %jit3A_1046, %sign3A_1055 : i32
      %sign3A_1057 = arith.extui %sign3A_1056 : i1 to i32
      %sign3A_1058 = arith.constant 0 : i32
      %sign3A_1059 = arith.cmpi slt, %jit3A_1046, %sign3A_1058 : i32
      %sign3A_1060 = arith.extui %sign3A_1059 : i1 to i32
      %sign3A_1061 = arith.subi %sign3A_1057, %sign3A_1060 : i32
      %ne3A_1062 = arith.cmpi ne, %sign3A_1054, %sign3A_1061 : i32
      %rem3A_1063 = arith.remsi %add3A_1045, %jit3A_1046 : i32
      %ne3A_1064 = arith.constant 0 : i32
      %ne3A_1065 = arith.cmpi ne, %rem3A_1063, %ne3A_1064 : i32
      %and3A_1066 = arith.andi %ne3A_1062, %ne3A_1065 : i1
      %sub3A_1067 = arith.constant 1 : i32
      %sub3A_1068 = arith.subi %div3A_1047, %sub3A_1067 : i32
      %select_n3A_1069 = arith.select %and3A_1066, %sub3A_1068, %div3A_1047 : i32
      %jit3A_1070 = arith.constant 2 : i32
      %eq3A_1071 = arith.constant 0 : i32
      %eq3A_1072 = arith.cmpi eq, %jit3A_1070, %eq3A_1071 : i32
      %jit3A_1073 = arith.constant 1 : i32
      %select_n3A_1074 = arith.select %eq3A_1072, %jit3A_1073, %jit3A_1070 : i32
      %rem3A_1075 = arith.remsi %add3A_1045, %select_n3A_1074 : i32
      %ne3A_1076 = arith.constant 0 : i32
      %ne3A_1077 = arith.cmpi ne, %rem3A_1075, %ne3A_1076 : i32
      %lt3A_1078 = arith.constant 0 : i32
      %lt3A_1079 = arith.cmpi slt, %rem3A_1075, %lt3A_1078 : i32
      %lt3A_1080 = arith.constant 0 : i32
      %lt3A_1081 = arith.cmpi slt, %select_n3A_1074, %lt3A_1080 : i32
      %ne3A_1082 = arith.xori %lt3A_1079, %lt3A_1081 : i1
      %and3A_1083 = arith.andi %ne3A_1082, %ne3A_1077 : i1
      %add3A_1084 = arith.addi %rem3A_1075, %select_n3A_1074 : i32
      %select_n3A_1085 = arith.select %and3A_1083, %add3A_1084, %rem3A_1075 : i32
      %mul3A_1086 = arith.constant 64 : i32
      %mul3A_1087 = arith.muli %select_n3A_1085, %mul3A_1086 : i32
      %dma_start3A_1088 = tpu.memref_slice %arg6[%select_n3A_1069, %mul3A_1087] : memref<78x128xi32, #tpu.memory_space<vmem>> -> memref<1x64xi32, #tpu.memory_space<vmem>>
      %dma_start3A_1089 = tpu.memref_squeeze %dma_start3A_1088 : memref<1x64xi32, #tpu.memory_space<vmem>> -> memref<64xi32, #tpu.memory_space<vmem>>
      %dma_start3A_1090 = arith.constant 0 : i32
      %dma_start3A_1091 = arith.constant 0 : i32
      %dma_start3A_1092 = tpu.memref_slice %arg2[%dma_start3A_1090, %dma_start3A_1091] : memref<10000x128xf32, #tpu.memory_space<hbm>> -> memref<10000x128xf32, #tpu.memory_space<hbm>>
      tpu.enqueue_indirect_dma source(%dma_start3A_1092 : memref<10000x128xf32, #tpu.memory_space<hbm>>) target(%arg15 : memref<64x128xf32, #tpu.memory_space<vmem>>) offsets(%dma_start3A_1089 : memref<64xi32, #tpu.memory_space<vmem>>) semaphore(%arg19 : memref<!tpu.dma_semaphore, #tpu.memory_space<semaphore_mem>>)
      %add3A_1093 = arith.constant 4 : i32
      %add3A_1094 = arith.addi %mul3A_228, %add3A_1093 : i32
      %add3A_1095 = arith.constant 3 : i32
      %add3A_1096 = arith.addi %add3A_1094, %add3A_1095 : i32
      %mul3A_1097 = arith.constant 78 : i32
      %mul3A_1098 = arith.muli %add3A, %mul3A_1097 : i32
      %jit3A_1099 = arith.constant 2 : i32
      %div3A_1100 = arith.divsi %add3A_1096, %jit3A_1099 : i32
      %sign3A_1101 = arith.constant 0 : i32
      %sign3A_1102 = arith.cmpi sgt, %add3A_1096, %sign3A_1101 : i32
      %sign3A_1103 = arith.extui %sign3A_1102 : i1 to i32
      %sign3A_1104 = arith.constant 0 : i32
      %sign3A_1105 = arith.cmpi slt, %add3A_1096, %sign3A_1104 : i32
      %sign3A_1106 = arith.extui %sign3A_1105 : i1 to i32
      %sign3A_1107 = arith.subi %sign3A_1103, %sign3A_1106 : i32
      %sign3A_1108 = arith.constant 0 : i32
      %sign3A_1109 = arith.cmpi sgt, %jit3A_1099, %sign3A_1108 : i32
      %sign3A_1110 = arith.extui %sign3A_1109 : i1 to i32
      %sign3A_1111 = arith.constant 0 : i32
      %sign3A_1112 = arith.cmpi slt, %jit3A_1099, %sign3A_1111 : i32
      %sign3A_1113 = arith.extui %sign3A_1112 : i1 to i32
      %sign3A_1114 = arith.subi %sign3A_1110, %sign3A_1113 : i32
      %ne3A_1115 = arith.cmpi ne, %sign3A_1107, %sign3A_1114 : i32
      %rem3A_1116 = arith.remsi %add3A_1096, %jit3A_1099 : i32
      %ne3A_1117 = arith.constant 0 : i32
      %ne3A_1118 = arith.cmpi ne, %rem3A_1116, %ne3A_1117 : i32
      %and3A_1119 = arith.andi %ne3A_1115, %ne3A_1118 : i1
      %sub3A_1120 = arith.constant 1 : i32
      %sub3A_1121 = arith.subi %div3A_1100, %sub3A_1120 : i32
      %select_n3A_1122 = arith.select %and3A_1119, %sub3A_1121, %div3A_1100 : i32
      %add3A_1123 = arith.addi %mul3A_1098, %select_n3A_1122 : i32
      %dma_start3A_1124 = arith.constant 0 : i32
      %dma_start3A_1125 = arith.constant 0 : i32
      %dma_start3A_1126 = tpu.memref_slice %arg3[%add3A_1123, %dma_start3A_1124, %dma_start3A_1125] : memref<2500x2x128xi32, #tpu.memory_space<hbm>> -> memref<1x2x128xi32, #tpu.memory_space<hbm>>
      %dma_start3A_1127 = tpu.memref_squeeze %dma_start3A_1126 : memref<1x2x128xi32, #tpu.memory_space<hbm>> -> memref<2x128xi32, #tpu.memory_space<hbm>>
      %dma_start3A_1128 = arith.constant 0 : i32
      %dma_start3A_1129 = arith.constant 0 : i32
      %dma_start3A_1130 = tpu.memref_slice %arg3[%add3A_1123, %dma_start3A_1128, %dma_start3A_1129] : memref<2500x2x128xi32, #tpu.memory_space<hbm>> -> memref<1x2x128xi32, #tpu.memory_space<hbm>>
      %dma_start3A_1131 = tpu.memref_squeeze %dma_start3A_1130 : memref<1x2x128xi32, #tpu.memory_space<hbm>> -> memref<2x128xi32, #tpu.memory_space<hbm>>
      tpu.enqueue_dma source(%dma_start3A_1131 : memref<2x128xi32, #tpu.memory_space<hbm>>) target(%arg11 : memref<2x128xi32, #tpu.memory_space<vmem>>) target_semaphore(%arg27 : memref<!tpu.dma_semaphore, #tpu.memory_space<semaphore_mem>>)
    }
    %scan3A_83 = arith.constant 38 : i32
    %dma_wait3A = arith.constant 76 : i32
    %dma_wait3A_84 = arith.constant 0 : i32
    %dma_wait3A_85 = tpu.memref_slice %arg6[%dma_wait3A, %dma_wait3A_84] : memref<78x128xi32, #tpu.memory_space<vmem>> -> memref<1x64xi32, #tpu.memory_space<vmem>>
    %dma_wait3A_86 = tpu.memref_squeeze %dma_wait3A_85 : memref<1x64xi32, #tpu.memory_space<vmem>> -> memref<64xi32, #tpu.memory_space<vmem>>
    %dma_wait3A_87 = arith.constant 0 : i32
    %dma_wait3A_88 = arith.constant 0 : i32
    %dma_wait3A_89 = tpu.memref_slice %arg2[%dma_wait3A_87, %dma_wait3A_88] : memref<10000x128xf32, #tpu.memory_space<hbm>> -> memref<10000x128xf32, #tpu.memory_space<hbm>>
    tpu.wait_indirect_dma semaphore(%arg16 : memref<!tpu.dma_semaphore, #tpu.memory_space<semaphore_mem>>) src(%dma_wait3A_89 : memref<10000x128xf32, #tpu.memory_space<hbm>>) dst(%arg12 : memref<64x128xf32, #tpu.memory_space<vmem>>)
    %mul3A_90 = arith.constant 78 : i32
    %mul3A_91 = arith.muli %add3A, %mul3A_90 : i32
    %add3A_92 = arith.constant 76 : i32
    %add3A_93 = arith.addi %mul3A_91, %add3A_92 : i32
    %dma_wait3A_94 = arith.constant 0 : i32
    %dma_wait3A_95 = arith.constant 0 : i32
    %dma_wait3A_96 = tpu.memref_slice %arg3[%add3A_93, %dma_wait3A_94, %dma_wait3A_95] : memref<2500x2x128xi32, #tpu.memory_space<hbm>> -> memref<1x2x128xi32, #tpu.memory_space<hbm>>
    %dma_wait3A_97 = tpu.memref_squeeze %dma_wait3A_96 : memref<1x2x128xi32, #tpu.memory_space<hbm>> -> memref<2x128xi32, #tpu.memory_space<hbm>>
    %dma_wait3A_98 = arith.constant 0 : i32
    %dma_wait3A_99 = arith.constant 0 : i32
    %dma_wait3A_100 = tpu.memref_slice %arg3[%add3A_93, %dma_wait3A_98, %dma_wait3A_99] : memref<2500x2x128xi32, #tpu.memory_space<hbm>> -> memref<1x2x128xi32, #tpu.memory_space<hbm>>
    %dma_wait3A_101 = tpu.memref_squeeze %dma_wait3A_100 : memref<1x2x128xi32, #tpu.memory_space<hbm>> -> memref<2x128xi32, #tpu.memory_space<hbm>>
    tpu.wait_dma2 semaphore(%arg24 : memref<!tpu.dma_semaphore, #tpu.memory_space<semaphore_mem>>) src(%dma_wait3A_101 : memref<2x128xi32, #tpu.memory_space<hbm>>) dst(%arg8 : memref<2x128xi32, #tpu.memory_space<vmem>>)
    %dma_start3A_102 = arith.constant 1 : i32
    %dma_start3A_103 = arith.constant 0 : i32
    %dma_start3A_104 = tpu.memref_slice %arg8[%dma_start3A_102, %dma_start3A_103] : memref<2x128xi32, #tpu.memory_space<vmem>> -> memref<1x64xi32, #tpu.memory_space<vmem>>
    %dma_start3A_105 = tpu.memref_squeeze %dma_start3A_104 : memref<1x64xi32, #tpu.memory_space<vmem>> -> memref<64xi32, #tpu.memory_space<vmem>>
    %dma_start3A_106 = arith.constant 0 : i32
    %dma_start3A_107 = arith.constant 0 : i32
    %dma_start3A_108 = tpu.memref_slice %arg28[%dma_start3A_106, %dma_start3A_107] : memref<10240x128xf32, #tpu.memory_space<vmem_shared>> -> memref<10240x128xf32, #tpu.memory_space<vmem_shared>>
    tpu.enqueue_indirect_dma source(%arg12 : memref<64x128xf32, #tpu.memory_space<vmem>>) target(%dma_start3A_108 : memref<10240x128xf32, #tpu.memory_space<vmem_shared>>) offsets(%dma_start3A_105 : memref<64xi32, #tpu.memory_space<vmem>>) semaphore(%arg20 : memref<!tpu.dma_semaphore, #tpu.memory_space<semaphore_mem>>) {add = true}
    %dma_wait3A_109 = arith.constant 76 : i32
    %dma_wait3A_110 = arith.constant 64 : i32
    %dma_wait3A_111 = tpu.memref_slice %arg6[%dma_wait3A_109, %dma_wait3A_110] : memref<78x128xi32, #tpu.memory_space<vmem>> -> memref<1x64xi32, #tpu.memory_space<vmem>>
    %dma_wait3A_112 = tpu.memref_squeeze %dma_wait3A_111 : memref<1x64xi32, #tpu.memory_space<vmem>> -> memref<64xi32, #tpu.memory_space<vmem>>
    %dma_wait3A_113 = arith.constant 0 : i32
    %dma_wait3A_114 = arith.constant 0 : i32
    %dma_wait3A_115 = tpu.memref_slice %arg2[%dma_wait3A_113, %dma_wait3A_114] : memref<10000x128xf32, #tpu.memory_space<hbm>> -> memref<10000x128xf32, #tpu.memory_space<hbm>>
    tpu.wait_indirect_dma semaphore(%arg17 : memref<!tpu.dma_semaphore, #tpu.memory_space<semaphore_mem>>) src(%dma_wait3A_115 : memref<10000x128xf32, #tpu.memory_space<hbm>>) dst(%arg13 : memref<64x128xf32, #tpu.memory_space<vmem>>)
    %mul3A_116 = arith.constant 78 : i32
    %mul3A_117 = arith.muli %add3A, %mul3A_116 : i32
    %add3A_118 = arith.constant 76 : i32
    %add3A_119 = arith.addi %mul3A_117, %add3A_118 : i32
    %dma_wait3A_120 = arith.constant 0 : i32
    %dma_wait3A_121 = arith.constant 0 : i32
    %dma_wait3A_122 = tpu.memref_slice %arg3[%add3A_119, %dma_wait3A_120, %dma_wait3A_121] : memref<2500x2x128xi32, #tpu.memory_space<hbm>> -> memref<1x2x128xi32, #tpu.memory_space<hbm>>
    %dma_wait3A_123 = tpu.memref_squeeze %dma_wait3A_122 : memref<1x2x128xi32, #tpu.memory_space<hbm>> -> memref<2x128xi32, #tpu.memory_space<hbm>>
    %dma_wait3A_124 = arith.constant 0 : i32
    %dma_wait3A_125 = arith.constant 0 : i32
    %dma_wait3A_126 = tpu.memref_slice %arg3[%add3A_119, %dma_wait3A_124, %dma_wait3A_125] : memref<2500x2x128xi32, #tpu.memory_space<hbm>> -> memref<1x2x128xi32, #tpu.memory_space<hbm>>
    %dma_wait3A_127 = tpu.memref_squeeze %dma_wait3A_126 : memref<1x2x128xi32, #tpu.memory_space<hbm>> -> memref<2x128xi32, #tpu.memory_space<hbm>>
    tpu.wait_dma2 semaphore(%arg25 : memref<!tpu.dma_semaphore, #tpu.memory_space<semaphore_mem>>) src(%dma_wait3A_127 : memref<2x128xi32, #tpu.memory_space<hbm>>) dst(%arg9 : memref<2x128xi32, #tpu.memory_space<vmem>>)
    %dma_start3A_128 = arith.constant 1 : i32
    %dma_start3A_129 = arith.constant 64 : i32
    %dma_start3A_130 = tpu.memref_slice %arg9[%dma_start3A_128, %dma_start3A_129] : memref<2x128xi32, #tpu.memory_space<vmem>> -> memref<1x64xi32, #tpu.memory_space<vmem>>
    %dma_start3A_131 = tpu.memref_squeeze %dma_start3A_130 : memref<1x64xi32, #tpu.memory_space<vmem>> -> memref<64xi32, #tpu.memory_space<vmem>>
    %dma_start3A_132 = arith.constant 0 : i32
    %dma_start3A_133 = arith.constant 0 : i32
    %dma_start3A_134 = tpu.memref_slice %arg28[%dma_start3A_132, %dma_start3A_133] : memref<10240x128xf32, #tpu.memory_space<vmem_shared>> -> memref<10240x128xf32, #tpu.memory_space<vmem_shared>>
    tpu.enqueue_indirect_dma source(%arg13 : memref<64x128xf32, #tpu.memory_space<vmem>>) target(%dma_start3A_134 : memref<10240x128xf32, #tpu.memory_space<vmem_shared>>) offsets(%dma_start3A_131 : memref<64xi32, #tpu.memory_space<vmem>>) semaphore(%arg21 : memref<!tpu.dma_semaphore, #tpu.memory_space<semaphore_mem>>) {add = true}
    %dma_wait3A_135 = arith.constant 77 : i32
    %dma_wait3A_136 = arith.constant 0 : i32
    %dma_wait3A_137 = tpu.memref_slice %arg6[%dma_wait3A_135, %dma_wait3A_136] : memref<78x128xi32, #tpu.memory_space<vmem>> -> memref<1x64xi32, #tpu.memory_space<vmem>>
    %dma_wait3A_138 = tpu.memref_squeeze %dma_wait3A_137 : memref<1x64xi32, #tpu.memory_space<vmem>> -> memref<64xi32, #tpu.memory_space<vmem>>
    %dma_wait3A_139 = arith.constant 0 : i32
    %dma_wait3A_140 = arith.constant 0 : i32
    %dma_wait3A_141 = tpu.memref_slice %arg2[%dma_wait3A_139, %dma_wait3A_140] : memref<10000x128xf32, #tpu.memory_space<hbm>> -> memref<10000x128xf32, #tpu.memory_space<hbm>>
    tpu.wait_indirect_dma semaphore(%arg18 : memref<!tpu.dma_semaphore, #tpu.memory_space<semaphore_mem>>) src(%dma_wait3A_141 : memref<10000x128xf32, #tpu.memory_space<hbm>>) dst(%arg14 : memref<64x128xf32, #tpu.memory_space<vmem>>)
    %mul3A_142 = arith.constant 78 : i32
    %mul3A_143 = arith.muli %add3A, %mul3A_142 : i32
    %add3A_144 = arith.constant 77 : i32
    %add3A_145 = arith.addi %mul3A_143, %add3A_144 : i32
    %dma_wait3A_146 = arith.constant 0 : i32
    %dma_wait3A_147 = arith.constant 0 : i32
    %dma_wait3A_148 = tpu.memref_slice %arg3[%add3A_145, %dma_wait3A_146, %dma_wait3A_147] : memref<2500x2x128xi32, #tpu.memory_space<hbm>> -> memref<1x2x128xi32, #tpu.memory_space<hbm>>
    %dma_wait3A_149 = tpu.memref_squeeze %dma_wait3A_148 : memref<1x2x128xi32, #tpu.memory_space<hbm>> -> memref<2x128xi32, #tpu.memory_space<hbm>>
    %dma_wait3A_150 = arith.constant 0 : i32
    %dma_wait3A_151 = arith.constant 0 : i32
    %dma_wait3A_152 = tpu.memref_slice %arg3[%add3A_145, %dma_wait3A_150, %dma_wait3A_151] : memref<2500x2x128xi32, #tpu.memory_space<hbm>> -> memref<1x2x128xi32, #tpu.memory_space<hbm>>
    %dma_wait3A_153 = tpu.memref_squeeze %dma_wait3A_152 : memref<1x2x128xi32, #tpu.memory_space<hbm>> -> memref<2x128xi32, #tpu.memory_space<hbm>>
    tpu.wait_dma2 semaphore(%arg26 : memref<!tpu.dma_semaphore, #tpu.memory_space<semaphore_mem>>) src(%dma_wait3A_153 : memref<2x128xi32, #tpu.memory_space<hbm>>) dst(%arg10 : memref<2x128xi32, #tpu.memory_space<vmem>>)
    %dma_start3A_154 = arith.constant 1 : i32
    %dma_start3A_155 = arith.constant 0 : i32
    %dma_start3A_156 = tpu.memref_slice %arg10[%dma_start3A_154, %dma_start3A_155] : memref<2x128xi32, #tpu.memory_space<vmem>> -> memref<1x64xi32, #tpu.memory_space<vmem>>
    %dma_start3A_157 = tpu.memref_squeeze %dma_start3A_156 : memref<1x64xi32, #tpu.memory_space<vmem>> -> memref<64xi32, #tpu.memory_space<vmem>>
    %dma_start3A_158 = arith.constant 0 : i32
    %dma_start3A_159 = arith.constant 0 : i32
    %dma_start3A_160 = tpu.memref_slice %arg28[%dma_start3A_158, %dma_start3A_159] : memref<10240x128xf32, #tpu.memory_space<vmem_shared>> -> memref<10240x128xf32, #tpu.memory_space<vmem_shared>>
    tpu.enqueue_indirect_dma source(%arg14 : memref<64x128xf32, #tpu.memory_space<vmem>>) target(%dma_start3A_160 : memref<10240x128xf32, #tpu.memory_space<vmem_shared>>) offsets(%dma_start3A_157 : memref<64xi32, #tpu.memory_space<vmem>>) semaphore(%arg22 : memref<!tpu.dma_semaphore, #tpu.memory_space<semaphore_mem>>) {add = true}
    %dma_wait3A_161 = arith.constant 77 : i32
    %dma_wait3A_162 = arith.constant 64 : i32
    %dma_wait3A_163 = tpu.memref_slice %arg6[%dma_wait3A_161, %dma_wait3A_162] : memref<78x128xi32, #tpu.memory_space<vmem>> -> memref<1x64xi32, #tpu.memory_space<vmem>>
    %dma_wait3A_164 = tpu.memref_squeeze %dma_wait3A_163 : memref<1x64xi32, #tpu.memory_space<vmem>> -> memref<64xi32, #tpu.memory_space<vmem>>
    %dma_wait3A_165 = arith.constant 0 : i32
    %dma_wait3A_166 = arith.constant 0 : i32
    %dma_wait3A_167 = tpu.memref_slice %arg2[%dma_wait3A_165, %dma_wait3A_166] : memref<10000x128xf32, #tpu.memory_space<hbm>> -> memref<10000x128xf32, #tpu.memory_space<hbm>>
    tpu.wait_indirect_dma semaphore(%arg19 : memref<!tpu.dma_semaphore, #tpu.memory_space<semaphore_mem>>) src(%dma_wait3A_167 : memref<10000x128xf32, #tpu.memory_space<hbm>>) dst(%arg15 : memref<64x128xf32, #tpu.memory_space<vmem>>)
    %mul3A_168 = arith.constant 78 : i32
    %mul3A_169 = arith.muli %add3A, %mul3A_168 : i32
    %add3A_170 = arith.constant 77 : i32
    %add3A_171 = arith.addi %mul3A_169, %add3A_170 : i32
    %dma_wait3A_172 = arith.constant 0 : i32
    %dma_wait3A_173 = arith.constant 0 : i32
    %dma_wait3A_174 = tpu.memref_slice %arg3[%add3A_171, %dma_wait3A_172, %dma_wait3A_173] : memref<2500x2x128xi32, #tpu.memory_space<hbm>> -> memref<1x2x128xi32, #tpu.memory_space<hbm>>
    %dma_wait3A_175 = tpu.memref_squeeze %dma_wait3A_174 : memref<1x2x128xi32, #tpu.memory_space<hbm>> -> memref<2x128xi32, #tpu.memory_space<hbm>>
    %dma_wait3A_176 = arith.constant 0 : i32
    %dma_wait3A_177 = arith.constant 0 : i32
    %dma_wait3A_178 = tpu.memref_slice %arg3[%add3A_171, %dma_wait3A_176, %dma_wait3A_177] : memref<2500x2x128xi32, #tpu.memory_space<hbm>> -> memref<1x2x128xi32, #tpu.memory_space<hbm>>
    %dma_wait3A_179 = tpu.memref_squeeze %dma_wait3A_178 : memref<1x2x128xi32, #tpu.memory_space<hbm>> -> memref<2x128xi32, #tpu.memory_space<hbm>>
    tpu.wait_dma2 semaphore(%arg27 : memref<!tpu.dma_semaphore, #tpu.memory_space<semaphore_mem>>) src(%dma_wait3A_179 : memref<2x128xi32, #tpu.memory_space<hbm>>) dst(%arg11 : memref<2x128xi32, #tpu.memory_space<vmem>>)
    %dma_start3A_180 = arith.constant 1 : i32
    %dma_start3A_181 = arith.constant 64 : i32
    %dma_start3A_182 = tpu.memref_slice %arg11[%dma_start3A_180, %dma_start3A_181] : memref<2x128xi32, #tpu.memory_space<vmem>> -> memref<1x64xi32, #tpu.memory_space<vmem>>
    %dma_start3A_183 = tpu.memref_squeeze %dma_start3A_182 : memref<1x64xi32, #tpu.memory_space<vmem>> -> memref<64xi32, #tpu.memory_space<vmem>>
    %dma_start3A_184 = arith.constant 0 : i32
    %dma_start3A_185 = arith.constant 0 : i32
    %dma_start3A_186 = tpu.memref_slice %arg28[%dma_start3A_184, %dma_start3A_185] : memref<10240x128xf32, #tpu.memory_space<vmem_shared>> -> memref<10240x128xf32, #tpu.memory_space<vmem_shared>>
    tpu.enqueue_indirect_dma source(%arg15 : memref<64x128xf32, #tpu.memory_space<vmem>>) target(%dma_start3A_186 : memref<10240x128xf32, #tpu.memory_space<vmem_shared>>) offsets(%dma_start3A_183 : memref<64xi32, #tpu.memory_space<vmem>>) semaphore(%arg23 : memref<!tpu.dma_semaphore, #tpu.memory_space<semaphore_mem>>) {add = true}
    %dma_wait3A_187 = arith.constant 1 : i32
    %dma_wait3A_188 = arith.constant 0 : i32
    %dma_wait3A_189 = tpu.memref_slice %arg8[%dma_wait3A_187, %dma_wait3A_188] : memref<2x128xi32, #tpu.memory_space<vmem>> -> memref<1x64xi32, #tpu.memory_space<vmem>>
    %dma_wait3A_190 = tpu.memref_squeeze %dma_wait3A_189 : memref<1x64xi32, #tpu.memory_space<vmem>> -> memref<64xi32, #tpu.memory_space<vmem>>
    %dma_wait3A_191 = arith.constant 0 : i32
    %dma_wait3A_192 = arith.constant 0 : i32
    %dma_wait3A_193 = tpu.memref_slice %arg28[%dma_wait3A_191, %dma_wait3A_192] : memref<10240x128xf32, #tpu.memory_space<vmem_shared>> -> memref<10240x128xf32, #tpu.memory_space<vmem_shared>>
    tpu.wait_indirect_dma semaphore(%arg20 : memref<!tpu.dma_semaphore, #tpu.memory_space<semaphore_mem>>) src(%arg12 : memref<64x128xf32, #tpu.memory_space<vmem>>) dst(%dma_wait3A_193 : memref<10240x128xf32, #tpu.memory_space<vmem_shared>>)
    %dma_wait3A_194 = arith.constant 1 : i32
    %dma_wait3A_195 = arith.constant 64 : i32
    %dma_wait3A_196 = tpu.memref_slice %arg9[%dma_wait3A_194, %dma_wait3A_195] : memref<2x128xi32, #tpu.memory_space<vmem>> -> memref<1x64xi32, #tpu.memory_space<vmem>>
    %dma_wait3A_197 = tpu.memref_squeeze %dma_wait3A_196 : memref<1x64xi32, #tpu.memory_space<vmem>> -> memref<64xi32, #tpu.memory_space<vmem>>
    %dma_wait3A_198 = arith.constant 0 : i32
    %dma_wait3A_199 = arith.constant 0 : i32
    %dma_wait3A_200 = tpu.memref_slice %arg28[%dma_wait3A_198, %dma_wait3A_199] : memref<10240x128xf32, #tpu.memory_space<vmem_shared>> -> memref<10240x128xf32, #tpu.memory_space<vmem_shared>>
    tpu.wait_indirect_dma semaphore(%arg21 : memref<!tpu.dma_semaphore, #tpu.memory_space<semaphore_mem>>) src(%arg13 : memref<64x128xf32, #tpu.memory_space<vmem>>) dst(%dma_wait3A_200 : memref<10240x128xf32, #tpu.memory_space<vmem_shared>>)
    %dma_wait3A_201 = arith.constant 1 : i32
    %dma_wait3A_202 = arith.constant 0 : i32
    %dma_wait3A_203 = tpu.memref_slice %arg10[%dma_wait3A_201, %dma_wait3A_202] : memref<2x128xi32, #tpu.memory_space<vmem>> -> memref<1x64xi32, #tpu.memory_space<vmem>>
    %dma_wait3A_204 = tpu.memref_squeeze %dma_wait3A_203 : memref<1x64xi32, #tpu.memory_space<vmem>> -> memref<64xi32, #tpu.memory_space<vmem>>
    %dma_wait3A_205 = arith.constant 0 : i32
    %dma_wait3A_206 = arith.constant 0 : i32
    %dma_wait3A_207 = tpu.memref_slice %arg28[%dma_wait3A_205, %dma_wait3A_206] : memref<10240x128xf32, #tpu.memory_space<vmem_shared>> -> memref<10240x128xf32, #tpu.memory_space<vmem_shared>>
    tpu.wait_indirect_dma semaphore(%arg22 : memref<!tpu.dma_semaphore, #tpu.memory_space<semaphore_mem>>) src(%arg14 : memref<64x128xf32, #tpu.memory_space<vmem>>) dst(%dma_wait3A_207 : memref<10240x128xf32, #tpu.memory_space<vmem_shared>>)
    %dma_wait3A_208 = arith.constant 1 : i32
    %dma_wait3A_209 = arith.constant 64 : i32
    %dma_wait3A_210 = tpu.memref_slice %arg11[%dma_wait3A_208, %dma_wait3A_209] : memref<2x128xi32, #tpu.memory_space<vmem>> -> memref<1x64xi32, #tpu.memory_space<vmem>>
    %dma_wait3A_211 = tpu.memref_squeeze %dma_wait3A_210 : memref<1x64xi32, #tpu.memory_space<vmem>> -> memref<64xi32, #tpu.memory_space<vmem>>
    %dma_wait3A_212 = arith.constant 0 : i32
    %dma_wait3A_213 = arith.constant 0 : i32
    %dma_wait3A_214 = tpu.memref_slice %arg28[%dma_wait3A_212, %dma_wait3A_213] : memref<10240x128xf32, #tpu.memory_space<vmem_shared>> -> memref<10240x128xf32, #tpu.memory_space<vmem_shared>>
    tpu.wait_indirect_dma semaphore(%arg23 : memref<!tpu.dma_semaphore, #tpu.memory_space<semaphore_mem>>) src(%arg15 : memref<64x128xf32, #tpu.memory_space<vmem>>) dst(%dma_wait3A_214 : memref<10240x128xf32, #tpu.memory_space<vmem_shared>>)
    %lt3A = arith.constant 4 : i32
    %lt3A_215 = arith.cmpi slt, %add3A, %lt3A : i32
    %convert_element_type3A = arith.extui %lt3A_215 : i1 to i32
    %cond3A = arith.constant 0 : i32
    %cond3A_216 = arith.cmpi ne, %convert_element_type3A, %cond3A : i32
    scf.if %cond3A_216 {
      %add3A_222 = arith.constant 2496 : i32
      %add3A_223 = arith.addi %add3A_222, %add3A : i32
      "tpu.region"() ({
        %run_scoped3A_228 = tpu.sem_alloc : memref<!tpu.dma_semaphore, #tpu.memory_space<semaphore_mem>>
        %dma_start3A_229 = arith.constant 0 : i32
        %dma_start3A_230 = arith.constant 0 : i32
        %dma_start3A_231 = tpu.memref_slice %arg3[%add3A_223, %dma_start3A_229, %dma_start3A_230] : memref<2500x2x128xi32, #tpu.memory_space<hbm>> -> memref<1x2x128xi32, #tpu.memory_space<hbm>>
        %dma_start3A_232 = tpu.memref_squeeze %dma_start3A_231 : memref<1x2x128xi32, #tpu.memory_space<hbm>> -> memref<2x128xi32, #tpu.memory_space<hbm>>
        %dma_start3A_233 = arith.constant 0 : i32
        %dma_start3A_234 = arith.constant 0 : i32
        %dma_start3A_235 = tpu.memref_slice %arg3[%add3A_223, %dma_start3A_233, %dma_start3A_234] : memref<2500x2x128xi32, #tpu.memory_space<hbm>> -> memref<1x2x128xi32, #tpu.memory_space<hbm>>
        %dma_start3A_236 = tpu.memref_squeeze %dma_start3A_235 : memref<1x2x128xi32, #tpu.memory_space<hbm>> -> memref<2x128xi32, #tpu.memory_space<hbm>>
        tpu.enqueue_dma source(%dma_start3A_236 : memref<2x128xi32, #tpu.memory_space<hbm>>) target(%arg7 : memref<2x128xi32, #tpu.memory_space<vmem>>) target_semaphore(%run_scoped3A_228 : memref<!tpu.dma_semaphore, #tpu.memory_space<semaphore_mem>>)
        %dma_wait3A_237 = arith.constant 0 : i32
        %dma_wait3A_238 = arith.constant 0 : i32
        %dma_wait3A_239 = tpu.memref_slice %arg3[%add3A_223, %dma_wait3A_237, %dma_wait3A_238] : memref<2500x2x128xi32, #tpu.memory_space<hbm>> -> memref<1x2x128xi32, #tpu.memory_space<hbm>>
        %dma_wait3A_240 = tpu.memref_squeeze %dma_wait3A_239 : memref<1x2x128xi32, #tpu.memory_space<hbm>> -> memref<2x128xi32, #tpu.memory_space<hbm>>
        %dma_wait3A_241 = arith.constant 0 : i32
        %dma_wait3A_242 = arith.constant 0 : i32
        %dma_wait3A_243 = tpu.memref_slice %arg3[%add3A_223, %dma_wait3A_241, %dma_wait3A_242] : memref<2500x2x128xi32, #tpu.memory_space<hbm>> -> memref<1x2x128xi32, #tpu.memory_space<hbm>>
        %dma_wait3A_244 = tpu.memref_squeeze %dma_wait3A_243 : memref<1x2x128xi32, #tpu.memory_space<hbm>> -> memref<2x128xi32, #tpu.memory_space<hbm>>
        tpu.wait_dma2 semaphore(%run_scoped3A_228 : memref<!tpu.dma_semaphore, #tpu.memory_space<semaphore_mem>>) src(%dma_wait3A_244 : memref<2x128xi32, #tpu.memory_space<hbm>>) dst(%arg7 : memref<2x128xi32, #tpu.memory_space<vmem>>)
        tpu.yield
      }) : () -> ()
      %run_scoped3A_224 = arith.constant 0 : i32
      "tpu.region"() ({
        %run_scoped3A_228 = tpu.sem_alloc : memref<!tpu.dma_semaphore, #tpu.memory_space<semaphore_mem>>
        %dma_start3A_229 = arith.constant 0 : i32
        %dma_start3A_230 = tpu.memref_slice %arg7[%run_scoped3A_224, %dma_start3A_229] : memref<2x128xi32, #tpu.memory_space<vmem>> -> memref<1x64xi32, #tpu.memory_space<vmem>>
        %dma_start3A_231 = tpu.memref_squeeze %dma_start3A_230 : memref<1x64xi32, #tpu.memory_space<vmem>> -> memref<64xi32, #tpu.memory_space<vmem>>
        %dma_start3A_232 = arith.constant 0 : i32
        %dma_start3A_233 = arith.constant 0 : i32
        %dma_start3A_234 = tpu.memref_slice %arg2[%dma_start3A_232, %dma_start3A_233] : memref<10000x128xf32, #tpu.memory_space<hbm>> -> memref<10000x128xf32, #tpu.memory_space<hbm>>
        tpu.enqueue_indirect_dma source(%dma_start3A_234 : memref<10000x128xf32, #tpu.memory_space<hbm>>) target(%arg12 : memref<64x128xf32, #tpu.memory_space<vmem>>) offsets(%dma_start3A_231 : memref<64xi32, #tpu.memory_space<vmem>>) semaphore(%run_scoped3A_228 : memref<!tpu.dma_semaphore, #tpu.memory_space<semaphore_mem>>)
        %dma_wait3A_235 = arith.constant 0 : i32
        %dma_wait3A_236 = tpu.memref_slice %arg7[%run_scoped3A_224, %dma_wait3A_235] : memref<2x128xi32, #tpu.memory_space<vmem>> -> memref<1x64xi32, #tpu.memory_space<vmem>>
        %dma_wait3A_237 = tpu.memref_squeeze %dma_wait3A_236 : memref<1x64xi32, #tpu.memory_space<vmem>> -> memref<64xi32, #tpu.memory_space<vmem>>
        %dma_wait3A_238 = arith.constant 0 : i32
        %dma_wait3A_239 = arith.constant 0 : i32
        %dma_wait3A_240 = tpu.memref_slice %arg2[%dma_wait3A_238, %dma_wait3A_239] : memref<10000x128xf32, #tpu.memory_space<hbm>> -> memref<10000x128xf32, #tpu.memory_space<hbm>>
        tpu.wait_indirect_dma semaphore(%run_scoped3A_228 : memref<!tpu.dma_semaphore, #tpu.memory_space<semaphore_mem>>) src(%dma_wait3A_240 : memref<10000x128xf32, #tpu.memory_space<hbm>>) dst(%arg12 : memref<64x128xf32, #tpu.memory_space<vmem>>)
        tpu.yield
      }) : () -> ()
      %run_scoped3A_225 = arith.constant 1 : i32
      "tpu.region"() ({
        %run_scoped3A_228 = tpu.sem_alloc : memref<!tpu.dma_semaphore, #tpu.memory_space<semaphore_mem>>
        %dma_start3A_229 = arith.constant 0 : i32
        %dma_start3A_230 = tpu.memref_slice %arg7[%run_scoped3A_225, %dma_start3A_229] : memref<2x128xi32, #tpu.memory_space<vmem>> -> memref<1x64xi32, #tpu.memory_space<vmem>>
        %dma_start3A_231 = tpu.memref_squeeze %dma_start3A_230 : memref<1x64xi32, #tpu.memory_space<vmem>> -> memref<64xi32, #tpu.memory_space<vmem>>
        %dma_start3A_232 = arith.constant 0 : i32
        %dma_start3A_233 = arith.constant 0 : i32
        %dma_start3A_234 = tpu.memref_slice %arg28[%dma_start3A_232, %dma_start3A_233] : memref<10240x128xf32, #tpu.memory_space<vmem_shared>> -> memref<10240x128xf32, #tpu.memory_space<vmem_shared>>
        tpu.enqueue_indirect_dma source(%arg12 : memref<64x128xf32, #tpu.memory_space<vmem>>) target(%dma_start3A_234 : memref<10240x128xf32, #tpu.memory_space<vmem_shared>>) offsets(%dma_start3A_231 : memref<64xi32, #tpu.memory_space<vmem>>) semaphore(%run_scoped3A_228 : memref<!tpu.dma_semaphore, #tpu.memory_space<semaphore_mem>>) {add = true}
        %dma_wait3A_235 = arith.constant 0 : i32
        %dma_wait3A_236 = tpu.memref_slice %arg7[%run_scoped3A_225, %dma_wait3A_235] : memref<2x128xi32, #tpu.memory_space<vmem>> -> memref<1x64xi32, #tpu.memory_space<vmem>>
        %dma_wait3A_237 = tpu.memref_squeeze %dma_wait3A_236 : memref<1x64xi32, #tpu.memory_space<vmem>> -> memref<64xi32, #tpu.memory_space<vmem>>
        %dma_wait3A_238 = arith.constant 0 : i32
        %dma_wait3A_239 = arith.constant 0 : i32
        %dma_wait3A_240 = tpu.memref_slice %arg28[%dma_wait3A_238, %dma_wait3A_239] : memref<10240x128xf32, #tpu.memory_space<vmem_shared>> -> memref<10240x128xf32, #tpu.memory_space<vmem_shared>>
        tpu.wait_indirect_dma semaphore(%run_scoped3A_228 : memref<!tpu.dma_semaphore, #tpu.memory_space<semaphore_mem>>) src(%arg12 : memref<64x128xf32, #tpu.memory_space<vmem>>) dst(%dma_wait3A_240 : memref<10240x128xf32, #tpu.memory_space<vmem_shared>>)
        tpu.yield
      }) : () -> ()
      %run_scoped3A_226 = arith.constant 0 : i32
      "tpu.region"() ({
        %run_scoped3A_228 = tpu.sem_alloc : memref<!tpu.dma_semaphore, #tpu.memory_space<semaphore_mem>>
        %dma_start3A_229 = arith.constant 64 : i32
        %dma_start3A_230 = tpu.memref_slice %arg7[%run_scoped3A_226, %dma_start3A_229] : memref<2x128xi32, #tpu.memory_space<vmem>> -> memref<1x64xi32, #tpu.memory_space<vmem>>
        %dma_start3A_231 = tpu.memref_squeeze %dma_start3A_230 : memref<1x64xi32, #tpu.memory_space<vmem>> -> memref<64xi32, #tpu.memory_space<vmem>>
        %dma_start3A_232 = arith.constant 0 : i32
        %dma_start3A_233 = arith.constant 0 : i32
        %dma_start3A_234 = tpu.memref_slice %arg2[%dma_start3A_232, %dma_start3A_233] : memref<10000x128xf32, #tpu.memory_space<hbm>> -> memref<10000x128xf32, #tpu.memory_space<hbm>>
        tpu.enqueue_indirect_dma source(%dma_start3A_234 : memref<10000x128xf32, #tpu.memory_space<hbm>>) target(%arg12 : memref<64x128xf32, #tpu.memory_space<vmem>>) offsets(%dma_start3A_231 : memref<64xi32, #tpu.memory_space<vmem>>) semaphore(%run_scoped3A_228 : memref<!tpu.dma_semaphore, #tpu.memory_space<semaphore_mem>>)
        %dma_wait3A_235 = arith.constant 64 : i32
        %dma_wait3A_236 = tpu.memref_slice %arg7[%run_scoped3A_226, %dma_wait3A_235] : memref<2x128xi32, #tpu.memory_space<vmem>> -> memref<1x64xi32, #tpu.memory_space<vmem>>
        %dma_wait3A_237 = tpu.memref_squeeze %dma_wait3A_236 : memref<1x64xi32, #tpu.memory_space<vmem>> -> memref<64xi32, #tpu.memory_space<vmem>>
        %dma_wait3A_238 = arith.constant 0 : i32
        %dma_wait3A_239 = arith.constant 0 : i32
        %dma_wait3A_240 = tpu.memref_slice %arg2[%dma_wait3A_238, %dma_wait3A_239] : memref<10000x128xf32, #tpu.memory_space<hbm>> -> memref<10000x128xf32, #tpu.memory_space<hbm>>
        tpu.wait_indirect_dma semaphore(%run_scoped3A_228 : memref<!tpu.dma_semaphore, #tpu.memory_space<semaphore_mem>>) src(%dma_wait3A_240 : memref<10000x128xf32, #tpu.memory_space<hbm>>) dst(%arg12 : memref<64x128xf32, #tpu.memory_space<vmem>>)
        tpu.yield
      }) : () -> ()
      %run_scoped3A_227 = arith.constant 1 : i32
      "tpu.region"() ({
        %run_scoped3A_228 = tpu.sem_alloc : memref<!tpu.dma_semaphore, #tpu.memory_space<semaphore_mem>>
        %dma_start3A_229 = arith.constant 64 : i32
        %dma_start3A_230 = tpu.memref_slice %arg7[%run_scoped3A_227, %dma_start3A_229] : memref<2x128xi32, #tpu.memory_space<vmem>> -> memref<1x64xi32, #tpu.memory_space<vmem>>
        %dma_start3A_231 = tpu.memref_squeeze %dma_start3A_230 : memref<1x64xi32, #tpu.memory_space<vmem>> -> memref<64xi32, #tpu.memory_space<vmem>>
        %dma_start3A_232 = arith.constant 0 : i32
        %dma_start3A_233 = arith.constant 0 : i32
        %dma_start3A_234 = tpu.memref_slice %arg28[%dma_start3A_232, %dma_start3A_233] : memref<10240x128xf32, #tpu.memory_space<vmem_shared>> -> memref<10240x128xf32, #tpu.memory_space<vmem_shared>>
        tpu.enqueue_indirect_dma source(%arg12 : memref<64x128xf32, #tpu.memory_space<vmem>>) target(%dma_start3A_234 : memref<10240x128xf32, #tpu.memory_space<vmem_shared>>) offsets(%dma_start3A_231 : memref<64xi32, #tpu.memory_space<vmem>>) semaphore(%run_scoped3A_228 : memref<!tpu.dma_semaphore, #tpu.memory_space<semaphore_mem>>) {add = true}
        %dma_wait3A_235 = arith.constant 64 : i32
        %dma_wait3A_236 = tpu.memref_slice %arg7[%run_scoped3A_227, %dma_wait3A_235] : memref<2x128xi32, #tpu.memory_space<vmem>> -> memref<1x64xi32, #tpu.memory_space<vmem>>
        %dma_wait3A_237 = tpu.memref_squeeze %dma_wait3A_236 : memref<1x64xi32, #tpu.memory_space<vmem>> -> memref<64xi32, #tpu.memory_space<vmem>>
        %dma_wait3A_238 = arith.constant 0 : i32
        %dma_wait3A_239 = arith.constant 0 : i32
        %dma_wait3A_240 = tpu.memref_slice %arg28[%dma_wait3A_238, %dma_wait3A_239] : memref<10240x128xf32, #tpu.memory_space<vmem_shared>> -> memref<10240x128xf32, #tpu.memory_space<vmem_shared>>
        tpu.wait_indirect_dma semaphore(%run_scoped3A_228 : memref<!tpu.dma_semaphore, #tpu.memory_space<semaphore_mem>>) src(%arg12 : memref<64x128xf32, #tpu.memory_space<vmem>>) dst(%dma_wait3A_240 : memref<10240x128xf32, #tpu.memory_space<vmem_shared>>)
        tpu.yield
      }) : () -> ()
    } else {
    }
    %barrier3A_217 = arith.constant 0 : index
    tpu.barrier barrier_id(%barrier3A_217)
    %mul3A_218 = arith.constant 640 : i32
    %mul3A_219 = arith.muli %arg1, %mul3A_218 : i32
    %mul3A_220 = arith.constant 640 : i32
    %mul3A_221 = arith.muli %arg1, %mul3A_220 : i32
    "tpu.region"() ({
      %run_scoped3A_222 = tpu.sem_alloc : memref<!tpu.dma_semaphore, #tpu.memory_space<semaphore_mem>>
      %dma_start3A_223 = arith.constant 0 : i32
      %dma_start3A_224 = tpu.memref_slice %arg5[%arg0, %mul3A_221, %dma_start3A_223] : memref<2x10240x128xf32, #tpu.memory_space<hbm>> -> memref<1x640x128xf32, #tpu.memory_space<hbm>>
      %dma_start3A_225 = tpu.memref_squeeze %dma_start3A_224 : memref<1x640x128xf32, #tpu.memory_space<hbm>> -> memref<640x128xf32, #tpu.memory_space<hbm>>
      %dma_start3A_226 = arith.constant 0 : i32
      %dma_start3A_227 = tpu.memref_slice %arg28[%mul3A_219, %dma_start3A_226] : memref<10240x128xf32, #tpu.memory_space<vmem_shared>> -> memref<640x128xf32, #tpu.memory_space<vmem_shared>>
      tpu.enqueue_dma source(%dma_start3A_227 : memref<640x128xf32, #tpu.memory_space<vmem_shared>>) target(%dma_start3A_225 : memref<640x128xf32, #tpu.memory_space<hbm>>) target_semaphore(%run_scoped3A_222 : memref<!tpu.dma_semaphore, #tpu.memory_space<semaphore_mem>>)
      %dma_wait3A_228 = arith.constant 0 : i32
      %dma_wait3A_229 = tpu.memref_slice %arg5[%arg0, %mul3A_221, %dma_wait3A_228] : memref<2x10240x128xf32, #tpu.memory_space<hbm>> -> memref<1x640x128xf32, #tpu.memory_space<hbm>>
      %dma_wait3A_230 = tpu.memref_squeeze %dma_wait3A_229 : memref<1x640x128xf32, #tpu.memory_space<hbm>> -> memref<640x128xf32, #tpu.memory_space<hbm>>
      %dma_wait3A_231 = arith.constant 0 : i32
      %dma_wait3A_232 = tpu.memref_slice %arg28[%mul3A_219, %dma_wait3A_231] : memref<10240x128xf32, #tpu.memory_space<vmem_shared>> -> memref<640x128xf32, #tpu.memory_space<vmem_shared>>
      tpu.wait_dma2 semaphore(%run_scoped3A_222 : memref<!tpu.dma_semaphore, #tpu.memory_space<semaphore_mem>>) src(%dma_wait3A_232 : memref<640x128xf32, #tpu.memory_space<vmem_shared>>) dst(%dma_wait3A_230 : memref<640x128xf32, #tpu.memory_space<hbm>>)
      tpu.yield
    }) : () -> ()
    return
  }
}

#map = affine_map<(d0, d1) -> (0, 0, 0)>
#map1 = affine_map<(d0, d1) -> (0)>
#map2 = affine_map<(d0, d1) -> (0, 0)>
module attributes {stable_mosaic.version = 14 : i64} {
  func.func @deg_kernel(%arg0: i32, %arg1: i32, %arg2: memref<2500x2x128xi32, #tpu.memory_space<hbm>>, %arg3: memref<640xf32, #tpu.memory_space<hbm>>, %arg4: memref<128xf32, #tpu.memory_space<hbm>>, %arg5: memref<2x10240xf32, #tpu.memory_space<hbm>>, %arg6: memref<78x2x128xi32, #tpu.memory_space<vmem>>, %arg7: memref<2x128xi32, #tpu.memory_space<vmem>>, %arg8: memref<128xf32, #tpu.memory_space<vmem>>, %arg9: memref<!tpu.dma_semaphore, #tpu.memory_space<semaphore_mem>>, %arg10: memref<10240xf32, #tpu.memory_space<vmem_shared>>) attributes {dimension_semantics = [#tpu.dimension_semantics<core_parallel>, #tpu.dimension_semantics<subcore_parallel>], iteration_bounds = array<i64: 2, 16>, scalar_prefetch = 0 : i64, scratch_operands = 5 : i64, tpu.core_type = #tpu.core_type<sc_vector_subcore>, window_params = [{transform_indices = #map}, {transform_indices = #map1}, {transform_indices = #map1}, {transform_indices = #map2}]} {
    %mul3A = arith.constant 16 : i32
    %mul3A_0 = arith.muli %arg0, %mul3A : i32
    %add3A = arith.addi %mul3A_0, %arg1 : i32
    %mul3A_1 = arith.constant 78 : i32
    %mul3A_2 = arith.muli %add3A, %mul3A_1 : i32
    "tpu.region"() ({
      %run_scoped3A = tpu.sem_alloc : memref<!tpu.dma_semaphore, #tpu.memory_space<semaphore_mem>>
      %dma_start3A = arith.constant 0 : i32
      %dma_start3A_21 = arith.constant 0 : i32
      %dma_start3A_22 = tpu.memref_slice %arg2[%mul3A_2, %dma_start3A, %dma_start3A_21] : memref<2500x2x128xi32, #tpu.memory_space<hbm>> -> memref<78x2x128xi32, #tpu.memory_space<hbm>>
      %dma_start3A_23 = arith.constant 0 : i32
      %dma_start3A_24 = arith.constant 0 : i32
      %dma_start3A_25 = tpu.memref_slice %arg2[%mul3A_2, %dma_start3A_23, %dma_start3A_24] : memref<2500x2x128xi32, #tpu.memory_space<hbm>> -> memref<78x2x128xi32, #tpu.memory_space<hbm>>
      tpu.enqueue_dma source(%dma_start3A_25 : memref<78x2x128xi32, #tpu.memory_space<hbm>>) target(%arg6 : memref<78x2x128xi32, #tpu.memory_space<vmem>>) target_semaphore(%run_scoped3A : memref<!tpu.dma_semaphore, #tpu.memory_space<semaphore_mem>>)
      %dma_wait3A = arith.constant 0 : i32
      %dma_wait3A_26 = arith.constant 0 : i32
      %dma_wait3A_27 = tpu.memref_slice %arg2[%mul3A_2, %dma_wait3A, %dma_wait3A_26] : memref<2500x2x128xi32, #tpu.memory_space<hbm>> -> memref<78x2x128xi32, #tpu.memory_space<hbm>>
      %dma_wait3A_28 = arith.constant 0 : i32
      %dma_wait3A_29 = arith.constant 0 : i32
      %dma_wait3A_30 = tpu.memref_slice %arg2[%mul3A_2, %dma_wait3A_28, %dma_wait3A_29] : memref<2500x2x128xi32, #tpu.memory_space<hbm>> -> memref<78x2x128xi32, #tpu.memory_space<hbm>>
      tpu.wait_dma2 semaphore(%run_scoped3A : memref<!tpu.dma_semaphore, #tpu.memory_space<semaphore_mem>>) src(%dma_wait3A_30 : memref<78x2x128xi32, #tpu.memory_space<hbm>>) dst(%arg6 : memref<78x2x128xi32, #tpu.memory_space<vmem>>)
      tpu.yield
    }) : () -> ()
    %mul3A_3 = arith.constant 640 : i32
    %mul3A_4 = arith.muli %arg1, %mul3A_3 : i32
    "tpu.region"() ({
      %run_scoped3A = tpu.sem_alloc : memref<!tpu.dma_semaphore, #tpu.memory_space<semaphore_mem>>
      %dma_start3A = tpu.memref_slice %arg10[%mul3A_4] : memref<10240xf32, #tpu.memory_space<vmem_shared>> -> memref<640xf32, #tpu.memory_space<vmem_shared>>
      tpu.enqueue_dma source(%arg3 : memref<640xf32, #tpu.memory_space<hbm>>) target(%dma_start3A : memref<640xf32, #tpu.memory_space<vmem_shared>>) target_semaphore(%run_scoped3A : memref<!tpu.dma_semaphore, #tpu.memory_space<semaphore_mem>>)
      %dma_wait3A = tpu.memref_slice %arg10[%mul3A_4] : memref<10240xf32, #tpu.memory_space<vmem_shared>> -> memref<640xf32, #tpu.memory_space<vmem_shared>>
      tpu.wait_dma2 semaphore(%run_scoped3A : memref<!tpu.dma_semaphore, #tpu.memory_space<semaphore_mem>>) src(%arg3 : memref<640xf32, #tpu.memory_space<hbm>>) dst(%dma_wait3A : memref<640xf32, #tpu.memory_space<vmem_shared>>)
      tpu.yield
    }) : () -> ()
    "tpu.region"() ({
      %run_scoped3A = tpu.sem_alloc : memref<!tpu.dma_semaphore, #tpu.memory_space<semaphore_mem>>
      tpu.enqueue_dma source(%arg4 : memref<128xf32, #tpu.memory_space<hbm>>) target(%arg8 : memref<128xf32, #tpu.memory_space<vmem>>) target_semaphore(%run_scoped3A : memref<!tpu.dma_semaphore, #tpu.memory_space<semaphore_mem>>)
      tpu.wait_dma2 semaphore(%run_scoped3A : memref<!tpu.dma_semaphore, #tpu.memory_space<semaphore_mem>>) src(%arg4 : memref<128xf32, #tpu.memory_space<hbm>>) dst(%arg8 : memref<128xf32, #tpu.memory_space<vmem>>)
      tpu.yield
    }) : () -> ()
    %barrier3A = arith.constant 0 : index
    tpu.barrier barrier_id(%barrier3A)
    %scan3A = arith.constant 0 : i32
    %scan3A_5 = arith.constant 78 : i32
    %scan3A_6 = arith.addi %scan3A, %scan3A_5 : i32
    %scan3A_7 = arith.constant 1 : i32
    scf.for %scan3A_21 = %scan3A to %scan3A_6 step %scan3A_7  : i32 {
      %mul3A_22 = arith.constant 1 : i32
      %mul3A_23 = arith.muli %scan3A_21, %mul3A_22 : i32
      %add3A_24 = arith.constant 0 : i32
      %add3A_25 = arith.addi %add3A_24, %mul3A_23 : i32
      %dma_start3A = arith.constant 1 : i32
      %dma_start3A_26 = arith.constant 0 : i32
      %dma_start3A_27 = tpu.memref_slice %arg6[%add3A_25, %dma_start3A, %dma_start3A_26] : memref<78x2x128xi32, #tpu.memory_space<vmem>> -> memref<1x1x128xi32, #tpu.memory_space<vmem>>
      %dma_start3A_28 = tpu.memref_squeeze %dma_start3A_27 : memref<1x1x128xi32, #tpu.memory_space<vmem>> -> memref<128xi32, #tpu.memory_space<vmem>>
      %dma_start3A_29 = arith.constant 0 : i32
      %dma_start3A_30 = tpu.memref_slice %arg10[%dma_start3A_29] : memref<10240xf32, #tpu.memory_space<vmem_shared>> -> memref<10240xf32, #tpu.memory_space<vmem_shared>>
      tpu.enqueue_indirect_dma source(%arg8 : memref<128xf32, #tpu.memory_space<vmem>>) target(%dma_start3A_30 : memref<10240xf32, #tpu.memory_space<vmem_shared>>) offsets(%dma_start3A_28 : memref<128xi32, #tpu.memory_space<vmem>>) semaphore(%arg9 : memref<!tpu.dma_semaphore, #tpu.memory_space<semaphore_mem>>) {add = true}
    }
    %scan3A_8 = arith.constant 78 : i32
    %scan3A_9 = arith.constant 0 : i32
    %scan3A_10 = arith.constant 78 : i32
    %scan3A_11 = arith.addi %scan3A_9, %scan3A_10 : i32
    %scan3A_12 = arith.constant 1 : i32
    scf.for %scan3A_21 = %scan3A_9 to %scan3A_11 step %scan3A_12  : i32 {
      %mul3A_22 = arith.constant 1 : i32
      %mul3A_23 = arith.muli %scan3A_21, %mul3A_22 : i32
      %add3A_24 = arith.constant 0 : i32
      %add3A_25 = arith.addi %add3A_24, %mul3A_23 : i32
      %dma_wait3A = arith.constant 1 : i32
      %dma_wait3A_26 = arith.constant 0 : i32
      %dma_wait3A_27 = tpu.memref_slice %arg6[%add3A_25, %dma_wait3A, %dma_wait3A_26] : memref<78x2x128xi32, #tpu.memory_space<vmem>> -> memref<1x1x128xi32, #tpu.memory_space<vmem>>
      %dma_wait3A_28 = tpu.memref_squeeze %dma_wait3A_27 : memref<1x1x128xi32, #tpu.memory_space<vmem>> -> memref<128xi32, #tpu.memory_space<vmem>>
      %dma_wait3A_29 = arith.constant 0 : i32
      %dma_wait3A_30 = tpu.memref_slice %arg10[%dma_wait3A_29] : memref<10240xf32, #tpu.memory_space<vmem_shared>> -> memref<10240xf32, #tpu.memory_space<vmem_shared>>
      tpu.wait_indirect_dma semaphore(%arg9 : memref<!tpu.dma_semaphore, #tpu.memory_space<semaphore_mem>>) src(%arg8 : memref<128xf32, #tpu.memory_space<vmem>>) dst(%dma_wait3A_30 : memref<10240xf32, #tpu.memory_space<vmem_shared>>)
    }
    %scan3A_13 = arith.constant 78 : i32
    %lt3A = arith.constant 4 : i32
    %lt3A_14 = arith.cmpi slt, %add3A, %lt3A : i32
    %convert_element_type3A = arith.extui %lt3A_14 : i1 to i32
    %cond3A = arith.constant 0 : i32
    %cond3A_15 = arith.cmpi ne, %convert_element_type3A, %cond3A : i32
    scf.if %cond3A_15 {
      %add3A_21 = arith.constant 2496 : i32
      %add3A_22 = arith.addi %add3A_21, %add3A : i32
      "tpu.region"() ({
        %run_scoped3A_23 = tpu.sem_alloc : memref<!tpu.dma_semaphore, #tpu.memory_space<semaphore_mem>>
        %dma_start3A = arith.constant 0 : i32
        %dma_start3A_24 = arith.constant 0 : i32
        %dma_start3A_25 = tpu.memref_slice %arg2[%add3A_22, %dma_start3A, %dma_start3A_24] : memref<2500x2x128xi32, #tpu.memory_space<hbm>> -> memref<1x2x128xi32, #tpu.memory_space<hbm>>
        %dma_start3A_26 = tpu.memref_squeeze %dma_start3A_25 : memref<1x2x128xi32, #tpu.memory_space<hbm>> -> memref<2x128xi32, #tpu.memory_space<hbm>>
        %dma_start3A_27 = arith.constant 0 : i32
        %dma_start3A_28 = arith.constant 0 : i32
        %dma_start3A_29 = tpu.memref_slice %arg2[%add3A_22, %dma_start3A_27, %dma_start3A_28] : memref<2500x2x128xi32, #tpu.memory_space<hbm>> -> memref<1x2x128xi32, #tpu.memory_space<hbm>>
        %dma_start3A_30 = tpu.memref_squeeze %dma_start3A_29 : memref<1x2x128xi32, #tpu.memory_space<hbm>> -> memref<2x128xi32, #tpu.memory_space<hbm>>
        tpu.enqueue_dma source(%dma_start3A_30 : memref<2x128xi32, #tpu.memory_space<hbm>>) target(%arg7 : memref<2x128xi32, #tpu.memory_space<vmem>>) target_semaphore(%run_scoped3A_23 : memref<!tpu.dma_semaphore, #tpu.memory_space<semaphore_mem>>)
        %dma_wait3A = arith.constant 0 : i32
        %dma_wait3A_31 = arith.constant 0 : i32
        %dma_wait3A_32 = tpu.memref_slice %arg2[%add3A_22, %dma_wait3A, %dma_wait3A_31] : memref<2500x2x128xi32, #tpu.memory_space<hbm>> -> memref<1x2x128xi32, #tpu.memory_space<hbm>>
        %dma_wait3A_33 = tpu.memref_squeeze %dma_wait3A_32 : memref<1x2x128xi32, #tpu.memory_space<hbm>> -> memref<2x128xi32, #tpu.memory_space<hbm>>
        %dma_wait3A_34 = arith.constant 0 : i32
        %dma_wait3A_35 = arith.constant 0 : i32
        %dma_wait3A_36 = tpu.memref_slice %arg2[%add3A_22, %dma_wait3A_34, %dma_wait3A_35] : memref<2500x2x128xi32, #tpu.memory_space<hbm>> -> memref<1x2x128xi32, #tpu.memory_space<hbm>>
        %dma_wait3A_37 = tpu.memref_squeeze %dma_wait3A_36 : memref<1x2x128xi32, #tpu.memory_space<hbm>> -> memref<2x128xi32, #tpu.memory_space<hbm>>
        tpu.wait_dma2 semaphore(%run_scoped3A_23 : memref<!tpu.dma_semaphore, #tpu.memory_space<semaphore_mem>>) src(%dma_wait3A_37 : memref<2x128xi32, #tpu.memory_space<hbm>>) dst(%arg7 : memref<2x128xi32, #tpu.memory_space<vmem>>)
        tpu.yield
      }) : () -> ()
      %run_scoped3A = arith.constant 1 : i32
      "tpu.region"() ({
        %run_scoped3A_23 = tpu.sem_alloc : memref<!tpu.dma_semaphore, #tpu.memory_space<semaphore_mem>>
        %dma_start3A = arith.constant 0 : i32
        %dma_start3A_24 = tpu.memref_slice %arg7[%run_scoped3A, %dma_start3A] : memref<2x128xi32, #tpu.memory_space<vmem>> -> memref<1x128xi32, #tpu.memory_space<vmem>>
        %dma_start3A_25 = tpu.memref_squeeze %dma_start3A_24 : memref<1x128xi32, #tpu.memory_space<vmem>> -> memref<128xi32, #tpu.memory_space<vmem>>
        %dma_start3A_26 = arith.constant 0 : i32
        %dma_start3A_27 = tpu.memref_slice %arg10[%dma_start3A_26] : memref<10240xf32, #tpu.memory_space<vmem_shared>> -> memref<10240xf32, #tpu.memory_space<vmem_shared>>
        tpu.enqueue_indirect_dma source(%arg8 : memref<128xf32, #tpu.memory_space<vmem>>) target(%dma_start3A_27 : memref<10240xf32, #tpu.memory_space<vmem_shared>>) offsets(%dma_start3A_25 : memref<128xi32, #tpu.memory_space<vmem>>) semaphore(%run_scoped3A_23 : memref<!tpu.dma_semaphore, #tpu.memory_space<semaphore_mem>>) {add = true}
        %dma_wait3A = arith.constant 0 : i32
        %dma_wait3A_28 = tpu.memref_slice %arg7[%run_scoped3A, %dma_wait3A] : memref<2x128xi32, #tpu.memory_space<vmem>> -> memref<1x128xi32, #tpu.memory_space<vmem>>
        %dma_wait3A_29 = tpu.memref_squeeze %dma_wait3A_28 : memref<1x128xi32, #tpu.memory_space<vmem>> -> memref<128xi32, #tpu.memory_space<vmem>>
        %dma_wait3A_30 = arith.constant 0 : i32
        %dma_wait3A_31 = tpu.memref_slice %arg10[%dma_wait3A_30] : memref<10240xf32, #tpu.memory_space<vmem_shared>> -> memref<10240xf32, #tpu.memory_space<vmem_shared>>
        tpu.wait_indirect_dma semaphore(%run_scoped3A_23 : memref<!tpu.dma_semaphore, #tpu.memory_space<semaphore_mem>>) src(%arg8 : memref<128xf32, #tpu.memory_space<vmem>>) dst(%dma_wait3A_31 : memref<10240xf32, #tpu.memory_space<vmem_shared>>)
        tpu.yield
      }) : () -> ()
    } else {
    }
    %barrier3A_16 = arith.constant 0 : index
    tpu.barrier barrier_id(%barrier3A_16)
    %mul3A_17 = arith.constant 640 : i32
    %mul3A_18 = arith.muli %arg1, %mul3A_17 : i32
    %mul3A_19 = arith.constant 640 : i32
    %mul3A_20 = arith.muli %arg1, %mul3A_19 : i32
    "tpu.region"() ({
      %run_scoped3A = tpu.sem_alloc : memref<!tpu.dma_semaphore, #tpu.memory_space<semaphore_mem>>
      %dma_start3A = tpu.memref_slice %arg5[%arg0, %mul3A_20] : memref<2x10240xf32, #tpu.memory_space<hbm>> -> memref<1x640xf32, #tpu.memory_space<hbm>>
      %dma_start3A_21 = tpu.memref_squeeze %dma_start3A : memref<1x640xf32, #tpu.memory_space<hbm>> -> memref<640xf32, #tpu.memory_space<hbm>>
      %dma_start3A_22 = tpu.memref_slice %arg10[%mul3A_18] : memref<10240xf32, #tpu.memory_space<vmem_shared>> -> memref<640xf32, #tpu.memory_space<vmem_shared>>
      tpu.enqueue_dma source(%dma_start3A_22 : memref<640xf32, #tpu.memory_space<vmem_shared>>) target(%dma_start3A_21 : memref<640xf32, #tpu.memory_space<hbm>>) target_semaphore(%run_scoped3A : memref<!tpu.dma_semaphore, #tpu.memory_space<semaphore_mem>>)
      %dma_wait3A = tpu.memref_slice %arg5[%arg0, %mul3A_20] : memref<2x10240xf32, #tpu.memory_space<hbm>> -> memref<1x640xf32, #tpu.memory_space<hbm>>
      %dma_wait3A_23 = tpu.memref_squeeze %dma_wait3A : memref<1x640xf32, #tpu.memory_space<hbm>> -> memref<640xf32, #tpu.memory_space<hbm>>
      %dma_wait3A_24 = tpu.memref_slice %arg10[%mul3A_18] : memref<10240xf32, #tpu.memory_space<vmem_shared>> -> memref<640xf32, #tpu.memory_space<vmem_shared>>
      tpu.wait_dma2 semaphore(%run_scoped3A : memref<!tpu.dma_semaphore, #tpu.memory_space<semaphore_mem>>) src(%dma_wait3A_24 : memref<640xf32, #tpu.memory_space<vmem_shared>>) dst(%dma_wait3A_23 : memref<640xf32, #tpu.memory_space<hbm>>)
      tpu.yield
    }) : () -> ()
    return
  }
}

module attributes {stable_mosaic.version = 14 : i64} {
  func.func @_matmul_body(%arg0: i32, %arg1: memref<2000x128xf32, #tpu.memory_space<vmem>>, %arg2: memref<128x128xf32, #tpu.memory_space<vmem>>, %arg3: memref<2000x128xf32, #tpu.memory_space<vmem>>) attributes {dimension_semantics = [#tpu.dimension_semantics<arbitrary>], iteration_bounds = array<i64: 5>, scalar_prefetch = 0 : i64, scratch_operands = 0 : i64, tpu.core_type = #tpu.core_type<tc>, window_params = [{transform_indices = @transform_0, window_bounds = array<i64: 2000, 128>}, {pipeline_mode = #tpu.pipeline_mode<synchronous>, transform_indices = @transform_1, window_bounds = array<i64: 128, 128>}, {transform_indices = @transform_2, window_bounds = array<i64: 2000, 128>}]} {
    %get3A = arith.constant 0 : index
    %get3A_0 = arith.constant 0 : index
    %get3A_1 = vector.load %arg1[%get3A, %get3A_0] : memref<2000x128xf32, #tpu.memory_space<vmem>>, vector<2000x128xf32>
    %get3A_2 = arith.constant 0 : index
    %get3A_3 = arith.constant 0 : index
    %get3A_4 = vector.load %arg2[%get3A_2, %get3A_3] : memref<128x128xf32, #tpu.memory_space<vmem>>, vector<128x128xf32>
    %dot_general3A = arith.constant dense<0.000000e+00> : vector<2000x128xf32>
    %dot_general3A_5 = tpu.matmul %get3A_1, %get3A_4, %dot_general3A {dimension_numbers = #tpu.dot_dimension_numbers<[1], [0], [0], [1], [0, 0, 1, 1], [], []>, transpose_lhs_hint = false} : vector<2000x128xf32>, vector<128x128xf32>, vector<2000x128xf32> -> vector<2000x128xf32>
    %swap3A = arith.constant 0 : index
    %swap3A_6 = arith.constant 0 : index
    %swap3A_7 = vector.load %arg3[%swap3A, %swap3A_6] : memref<2000x128xf32, #tpu.memory_space<vmem>>, vector<2000x128xf32>
    tpu.vector_store %arg3[%swap3A, %swap3A_6], %dot_general3A_5 {strides = array<i32>} : memref<2000x128xf32, #tpu.memory_space<vmem>>, vector<2000x128xf32>,
    return
  }
  func.func @transform_0(%arg0: i32) -> (i32, i32) {
    %c0_i32 = arith.constant 0 : i32
    %c0_i32_0 = arith.constant 0 : i32
    return %arg0, %c0_i32 : i32, i32
  }
  func.func @transform_1(%arg0: i32) -> (i32, i32) {
    %c0_i32 = arith.constant 0 : i32
    %c0_i32_0 = arith.constant 0 : i32
    %c0_i32_1 = arith.constant 0 : i32
    return %c0_i32, %c0_i32_0 : i32, i32
  }
  func.func @transform_2(%arg0: i32) -> (i32, i32) {
    %c0_i32 = arith.constant 0 : i32
    %c0_i32_0 = arith.constant 0 : i32
    return %arg0, %c0_i32 : i32, i32
  }
}

module attributes {stable_mosaic.version = 14 : i64} {
  func.func @_final_body(%arg0: i32, %arg1: memref<2x2000x128xf32, #tpu.memory_space<vmem>>, %arg2: memref<2000x128xf32, #tpu.memory_space<vmem>>, %arg3: memref<2000x2xf32, #tpu.memory_space<vmem>>, %arg4: memref<1x128xf32, #tpu.memory_space<vmem>>, %arg5: memref<1x128xf32, #tpu.memory_space<vmem>>, %arg6: memref<1x128xf32, #tpu.memory_space<vmem>>, %arg7: memref<2000x128xf32, #tpu.memory_space<vmem>>) attributes {dimension_semantics = [#tpu.dimension_semantics<arbitrary>], iteration_bounds = array<i64: 5>, scalar_prefetch = 0 : i64, scratch_operands = 0 : i64, tpu.core_type = #tpu.core_type<tc>, window_params = [{transform_indices = @transform_0, window_bounds = array<i64: 2, 2000, 128>}, {transform_indices = @transform_1, window_bounds = array<i64: 2000, 128>}, {transform_indices = @transform_2, window_bounds = array<i64: 2000, 2>}, {pipeline_mode = #tpu.pipeline_mode<synchronous>, transform_indices = @transform_3, window_bounds = array<i64: 1, 128>}, {pipeline_mode = #tpu.pipeline_mode<synchronous>, transform_indices = @transform_4, window_bounds = array<i64: 1, 128>}, {pipeline_mode = #tpu.pipeline_mode<synchronous>, transform_indices = @transform_5, window_bounds = array<i64: 1, 128>}, {transform_indices = @transform_6, window_bounds = array<i64: 2000, 128>}]} {
    %get3A = arith.constant 0 : index
    %get3A_0 = arith.constant 0 : index
    %get3A_1 = arith.constant 0 : index
    %get3A_2 = vector.load %arg1[%get3A, %get3A_0, %get3A_1] : memref<2x2000x128xf32, #tpu.memory_space<vmem>>, vector<1x2000x128xf32>
    %get3A_3 = vector.shape_cast %get3A_2 : vector<1x2000x128xf32> to vector<2000x128xf32>
    %get3A_4 = arith.constant 1 : index
    %get3A_5 = arith.constant 0 : index
    %get3A_6 = arith.constant 0 : index
    %get3A_7 = vector.load %arg1[%get3A_4, %get3A_5, %get3A_6] : memref<2x2000x128xf32, #tpu.memory_space<vmem>>, vector<1x2000x128xf32>
    %get3A_8 = vector.shape_cast %get3A_7 : vector<1x2000x128xf32> to vector<2000x128xf32>
    %add3A = arith.addf %get3A_3, %get3A_8 : vector<2000x128xf32>
    %get3A_9 = arith.constant 0 : index
    %get3A_10 = arith.constant 0 : index
    %get3A_11 = vector.load %arg2[%get3A_9, %get3A_10] : memref<2000x128xf32, #tpu.memory_space<vmem>>, vector<2000x128xf32>
    %add3A_12 = arith.addf %add3A, %get3A_11 : vector<2000x128xf32>
    %get3A_13 = arith.constant 0 : index
    %get3A_14 = arith.constant 0 : index
    %get3A_15 = vector.load %arg3[%get3A_13, %get3A_14] : memref<2000x2xf32, #tpu.memory_space<vmem>>, vector<2000x1xf32>
    %get3A_16 = arith.constant 0 : index
    %get3A_17 = arith.constant 1 : index
    %get3A_18 = vector.load %arg3[%get3A_16, %get3A_17] : memref<2000x2xf32, #tpu.memory_space<vmem>>, vector<2000x1xf32>
    %add3A_19 = arith.addf %get3A_15, %get3A_18 : vector<2000x1xf32>
    %add3A_20 = arith.constant 1.000000e+00 : f32
    %add3A_21 = vector.broadcast %add3A_20 : f32 to vector<2000x1xf32>
    %add3A_22 = arith.addf %add3A_19, %add3A_21 : vector<2000x1xf32>
    %rsqrt3A = math.rsqrt %add3A_22 : vector<2000x1xf32>
    %mul3A = vector.broadcast %rsqrt3A : vector<2000x1xf32> to vector<2000x128xf32>
    %mul3A_23 = arith.mulf %add3A_12, %mul3A : vector<2000x128xf32>
    %get3A_24 = arith.constant 0 : index
    %get3A_25 = arith.constant 0 : index
    %get3A_26 = vector.load %arg4[%get3A_24, %get3A_25] : memref<1x128xf32, #tpu.memory_space<vmem>>, vector<1x128xf32>
    %add3A_27 = vector.broadcast %get3A_26 : vector<1x128xf32> to vector<2000x128xf32>
    %add3A_28 = arith.addf %mul3A_23, %add3A_27 : vector<2000x128xf32>
    %reduce_sum3A = arith.constant dense<0.000000e+00> : vector<2000xf32>
    %reduce_sum3A_29 = vector.multi_reduction <add>, %add3A_28, %reduce_sum3A [1] : vector<2000x128xf32> to vector<2000xf32>
    %broadcast_in_dim3A = vector.shape_cast %reduce_sum3A_29 : vector<2000xf32> to vector<2000x1xf32>
    %div3A = arith.constant 1.280000e+02 : f32
    %div3A_30 = vector.broadcast %div3A : f32 to vector<2000x1xf32>
    %div3A_31 = arith.divf %broadcast_in_dim3A, %div3A_30 : vector<2000x1xf32>
    %sub3A = vector.broadcast %div3A_31 : vector<2000x1xf32> to vector<2000x128xf32>
    %sub3A_32 = arith.subf %add3A_28, %sub3A : vector<2000x128xf32>
    %mul3A_33 = arith.mulf %sub3A_32, %sub3A_32 : vector<2000x128xf32>
    %reduce_sum3A_34 = arith.constant dense<0.000000e+00> : vector<2000xf32>
    %reduce_sum3A_35 = vector.multi_reduction <add>, %mul3A_33, %reduce_sum3A_34 [1] : vector<2000x128xf32> to vector<2000xf32>
    %broadcast_in_dim3A_36 = vector.shape_cast %reduce_sum3A_35 : vector<2000xf32> to vector<2000x1xf32>
    %div3A_37 = arith.constant 1.280000e+02 : f32
    %div3A_38 = vector.broadcast %div3A_37 : f32 to vector<2000x1xf32>
    %div3A_39 = arith.divf %broadcast_in_dim3A_36, %div3A_38 : vector<2000x1xf32>
    %add3A_40 = arith.constant 9.99999974E-6 : f32
    %add3A_41 = vector.broadcast %add3A_40 : f32 to vector<2000x1xf32>
    %add3A_42 = arith.addf %div3A_39, %add3A_41 : vector<2000x1xf32>
    %rsqrt3A_43 = math.rsqrt %add3A_42 : vector<2000x1xf32>
    %mul3A_44 = vector.broadcast %rsqrt3A_43 : vector<2000x1xf32> to vector<2000x128xf32>
    %mul3A_45 = arith.mulf %sub3A_32, %mul3A_44 : vector<2000x128xf32>
    %get3A_46 = arith.constant 0 : index
    %get3A_47 = arith.constant 0 : index
    %get3A_48 = vector.load %arg5[%get3A_46, %get3A_47] : memref<1x128xf32, #tpu.memory_space<vmem>>, vector<1x128xf32>
    %mul3A_49 = vector.broadcast %get3A_48 : vector<1x128xf32> to vector<2000x128xf32>
    %mul3A_50 = arith.mulf %mul3A_45, %mul3A_49 : vector<2000x128xf32>
    %get3A_51 = arith.constant 0 : index
    %get3A_52 = arith.constant 0 : index
    %get3A_53 = vector.load %arg6[%get3A_51, %get3A_52] : memref<1x128xf32, #tpu.memory_space<vmem>>, vector<1x128xf32>
    %add3A_54 = vector.broadcast %get3A_53 : vector<1x128xf32> to vector<2000x128xf32>
    %add3A_55 = arith.addf %mul3A_50, %add3A_54 : vector<2000x128xf32>
    %swap3A = arith.constant 0 : index
    %swap3A_56 = arith.constant 0 : index
    %swap3A_57 = vector.load %arg7[%swap3A, %swap3A_56] : memref<2000x128xf32, #tpu.memory_space<vmem>>, vector<2000x128xf32>
    tpu.vector_store %arg7[%swap3A, %swap3A_56], %add3A_55 {strides = array<i32>} : memref<2000x128xf32, #tpu.memory_space<vmem>>, vector<2000x128xf32>,
    return
  }
  func.func @transform_0(%arg0: i32) -> (i32, i32, i32) {
    %c0_i32 = arith.constant 0 : i32
    %c0_i32_0 = arith.constant 0 : i32
    %c0_i32_1 = arith.constant 0 : i32
    return %c0_i32, %arg0, %c0_i32_0 : i32, i32, i32
  }
  func.func @transform_1(%arg0: i32) -> (i32, i32) {
    %c0_i32 = arith.constant 0 : i32
    %c0_i32_0 = arith.constant 0 : i32
    return %arg0, %c0_i32 : i32, i32
  }
  func.func @transform_2(%arg0: i32) -> (i32, i32) {
    %c0_i32 = arith.constant 0 : i32
    %c0_i32_0 = arith.constant 0 : i32
    return %arg0, %c0_i32 : i32, i32
  }
  func.func @transform_3(%arg0: i32) -> (i32, i32) {
    %c0_i32 = arith.constant 0 : i32
    %c0_i32_0 = arith.constant 0 : i32
    %c0_i32_1 = arith.constant 0 : i32
    return %c0_i32, %c0_i32_0 : i32, i32
  }
  func.func @transform_4(%arg0: i32) -> (i32, i32) {
    %c0_i32 = arith.constant 0 : i32
    %c0_i32_0 = arith.constant 0 : i32
    %c0_i32_1 = arith.constant 0 : i32
    return %c0_i32, %c0_i32_0 : i32, i32
  }
  func.func @transform_5(%arg0: i32) -> (i32, i32) {
    %c0_i32 = arith.constant 0 : i32
    %c0_i32_0 = arith.constant 0 : i32
    %c0_i32_1 = arith.constant 0 : i32
    return %c0_i32, %c0_i32_0 : i32, i32
  }
  func.func @transform_6(%arg0: i32) -> (i32, i32) {
    %c0_i32 = arith.constant 0 : i32
    %c0_i32_0 = arith.constant 0 : i32
    return %arg0, %c0_i32 : i32, i32
  }
}

module attributes {stable_mosaic.version = 14 : i64} {
  func.func @_scale_body(%arg0: i32, %arg1: memref<2000x128xf32, #tpu.memory_space<vmem>>, %arg2: memref<2000x2xf32, #tpu.memory_space<vmem>>, %arg3: memref<2000x128xf32, #tpu.memory_space<vmem>>) attributes {dimension_semantics = [#tpu.dimension_semantics<arbitrary>], iteration_bounds = array<i64: 5>, scalar_prefetch = 0 : i64, scratch_operands = 0 : i64, tpu.core_type = #tpu.core_type<tc>, window_params = [{transform_indices = @transform_0, window_bounds = array<i64: 2000, 128>}, {transform_indices = @transform_1, window_bounds = array<i64: 2000, 2>}, {transform_indices = @transform_2, window_bounds = array<i64: 2000, 128>}]} {
    %get3A = arith.constant 0 : index
    %get3A_0 = arith.constant 0 : index
    %get3A_1 = vector.load %arg1[%get3A, %get3A_0] : memref<2000x128xf32, #tpu.memory_space<vmem>>, vector<2000x128xf32>
    %get3A_2 = arith.constant 0 : index
    %get3A_3 = arith.constant 0 : index
    %get3A_4 = vector.load %arg2[%get3A_2, %get3A_3] : memref<2000x2xf32, #tpu.memory_space<vmem>>, vector<2000x1xf32>
    %get3A_5 = arith.constant 0 : index
    %get3A_6 = arith.constant 1 : index
    %get3A_7 = vector.load %arg2[%get3A_5, %get3A_6] : memref<2000x2xf32, #tpu.memory_space<vmem>>, vector<2000x1xf32>
    %add3A = arith.addf %get3A_4, %get3A_7 : vector<2000x1xf32>
    %add3A_8 = arith.constant 1.000000e+00 : f32
    %add3A_9 = vector.broadcast %add3A_8 : f32 to vector<2000x1xf32>
    %add3A_10 = arith.addf %add3A, %add3A_9 : vector<2000x1xf32>
    %rsqrt3A = math.rsqrt %add3A_10 : vector<2000x1xf32>
    %mul3A = vector.broadcast %rsqrt3A : vector<2000x1xf32> to vector<2000x128xf32>
    %mul3A_11 = arith.mulf %get3A_1, %mul3A : vector<2000x128xf32>
    %swap3A = arith.constant 0 : index
    %swap3A_12 = arith.constant 0 : index
    %swap3A_13 = vector.load %arg3[%swap3A, %swap3A_12] : memref<2000x128xf32, #tpu.memory_space<vmem>>, vector<2000x128xf32>
    tpu.vector_store %arg3[%swap3A, %swap3A_12], %mul3A_11 {strides = array<i32>} : memref<2000x128xf32, #tpu.memory_space<vmem>>, vector<2000x128xf32>,
    return
  }
  func.func @transform_0(%arg0: i32) -> (i32, i32) {
    %c0_i32 = arith.constant 0 : i32
    %c0_i32_0 = arith.constant 0 : i32
    return %arg0, %c0_i32 : i32, i32
  }
  func.func @transform_1(%arg0: i32) -> (i32, i32) {
    %c0_i32 = arith.constant 0 : i32
    %c0_i32_0 = arith.constant 0 : i32
    return %arg0, %c0_i32 : i32, i32
  }
  func.func @transform_2(%arg0: i32) -> (i32, i32) {
    %c0_i32 = arith.constant 0 : i32
    %c0_i32_0 = arith.constant 0 : i32
    return %arg0, %c0_i32 : i32, i32
  }
}

</mosaic_0001>

<sc_bundles>
// kernel: kernel.10.cloned.1.call-start
scs
__scs_entry_jumppad:
0x0: {  	(pc) =	sbr.rel $0x88, $3  }
0x1: {  	(tag) =	ssettag $0x0;
	lr =	simm.s32 $0x1  }
0x2: {  	[smem:$0x3F9B] =	sst lr;
	_ =	strace $0xD0000000  }
0x3: {  	_ = 	snop  }
0x4: {  	_ = 	snop  }
0x5: {  	_ = 	snop  }
0x6: {  	_ = 	snop  }
0x7: {  	_ = 	snop  }
__scs_overlays_trampoline_lowered:
0x8: {  	[smem:$0x3FAA] =	sst s0  }
0x9: {  	[smem:$0x3FAB] =	sst s1  }
0xa: {  	[smem:$0x3FAC] =	sst s2  }
0xb: {  	[smem:$0x3FAD] =	sst s3  }
0xc: {  	[smem:$0x3FAE] =	sst s4  }
0xd: {  	[smem:$0x3FAF] =	sst s5  }
0xe: {  	[smem:$0x3FB0] =	sst s6  }
0xf: {  	[smem:$0x3FB1] =	sst s7  }
0x10: {  	[smem:$0x3FB2] =	sst s8  }
0x11: {  	[smem:$0x3FB3] =	sst s9;
	s0 =	simm.s32 @!p0 $0x0  }
0x12: {  	s1 =	sld [smem:$0x3F99];
	s0 =	simm.s32 @p0 $0x1  }
0x13: {  	[smem:$0x3FB4] =	sst s0;
	s0 =	simm.s32 @!p1 $0x0  }
0x14: {  	s2 =	sld [smem:$0x3F98];
	s0 =	simm.s32 @p1 $0x1  }
0x15: {  	[smem:$0x3FB5] =	sst s0;
	s0 =	simm.s32 @!p2 $0x0  }
0x16: {  	s3 =	sld [smem:$0x3FDB];
	s0 =	simm.s32 @p2 $0x1  }
0x17: {  	s4 =	simm.s32 $0x1BF5;
	[smem:$0x3FB7] =	sst s0  }
0x18: {  	s0 =	sld [smem:$0x3F9A];
	_ =	swait.ge [sflag:s4], $0x0  }
0x19: {  	s7 =	sld [smem:$0x3F9B]  }
0x1a: {  	s8 =	sadd.s32 $0xFFFFE003, lr  }
0x1b: {  	s9 =	sadd.s32 $0xFFFFFEF7, lr;
	s5 =	simm.s32 $0xFFFFFFFF;
	p2 =	slt.u32 s8, $0xFFFFF086  }
0x1c: {  	p1 =	slt.u32 s9, $0xF7A;
	s5 =	simm.s32 @!p2 $0x0  }
0x1d: {  	s5 =	simm.s32 @p1 $0x1;
	p0 =	seq.s32 s7, s2  }
0x1e: {  	s7 =	smul.u32 @!p0 $0xF7A, s2;
	p2 =	seq.s32 @!p0 s5, $0x0  }
0x1f: {  	s9 =	smul.u32 $0xF7A, s1;
	s8 =	simm.s32 @!p0 $0x1BF5;
	p2 =	por !p2, p0  }
0x20: {  	[sflag:s8] =	ssyncset.s32 @!p0 $0xFFFFF086;
	s6 =	sadd.s32 @!p0 s3, s7;
	s7 =	simm.s32 @!p0 $0x108  }
0x21: {  	s3 =	sadd.s32 s3, s9;
	s6 =	sadd.s32 @!p0 $0x88, s6;
	s7 =	simm.s32 @p2 $0x1082  }
0x22: {  	[simem:s7], [sflag:s8] =	dma.local @!p0 [hbm:s6], $0xF7A  }
0x23: {  	s9 =	sor.u32 $0xD0000000, s2;
	s6 =	simm.s32 $0x108;
	_ =	swait.ge @!p0 [sflag:s8], $0x0  }
0x24: {  	s3 =	sadd.s32 $0x88, s3;
	s6 =	simm.s32 @!p1 $0x1082;
	[sflag:s4] =	ssyncset.s32 $0xFFFFF086  }
0x25: {  	[simem:s6], [sflag:s4] =	dma.local [hbm:s3], $0xF7A  }
0x26: {  	[smem:$0x3F9B] =	sst s1;
	(tag) =	ssettag s2;
	_ =	strace s9  }
0x27: {  	s1 =	sld [smem:$0x3FAB]  }
0x28: {  	s2 =	sld [smem:$0x3FAC]  }
0x29: {  	s4 =	sld [smem:$0x3FAE]  }
0x2a: {  	p0 =	seq.s32 s5, $0x0;
	s5 =	sld [smem:$0x3FAF]  }
0x2b: {  	s6 =	sld [smem:$0x3FB0]  }
0x2c: {  	s7 =	sld [smem:$0x3FB1]  }
0x2d: {  	s3 =	simm.s32 $0x108;
	s8 =	sld [smem:$0x3FB2]  }
0x2e: {  	s3 =	simm.s32 @!p0 $0x1082;
	s9 =	sld [smem:$0x3FB3]  }
0x2f: {  	lr =	sadd.s32 s0, s3;
	s0 =	sld [smem:$0x3FAA]  }
0x30: {  	s3 =	sld [smem:$0x3FAD]  }
0x31: {  	[smem:$0x3FB6] =	sst s10  }
0x32: {  	s10 =	sld [smem:$0x3FB4];
	_ =	sdelay $0x3  }
0x33: {  	p0 =	seq.s32 s10, $0x1;
	s10 =	sld [smem:$0x3FB6];
	_ =	sdelay $0x3  }
0x34: {  	[smem:$0x3FB6] =	sst s10  }
0x35: {  	s10 =	sld [smem:$0x3FB5];
	_ =	sdelay $0x3  }
0x36: {  	p1 =	seq.s32 s10, $0x1;
	s10 =	sld [smem:$0x3FB6];
	_ =	sdelay $0x3  }
0x37: {  	[smem:$0x3FB6] =	sst s10  }
0x38: {  	s10 =	sld [smem:$0x3FB7]  }
0x39: {  	_ = 	snop;
	(pc) =	sbr.ind lr, $3  }
0x3a: {  	_ = 	snop  }
0x3b: {  	_ = 	snop  }
0x3c: {  	p2 =	seq.s32 s10, $0x1;
	s10 =	sld [smem:$0x3FB6]  }
0x3d: {  	_ =	shalt  }
0x3e: {  	_ =	shalt  }
0x3f: {  	_ =	shalt  }
0x40: {  	_ =	shalt  }
0x41: {  	_ =	shalt  }
0x42: {  	_ =	shalt  }
0x43: {  	_ =	shalt  }
0x44: {  	_ =	shalt  }
0x45: {  	_ =	shalt  }
0x46: {  	_ =	shalt  }
0x47: {  	_ =	shalt  }
0x48: {  	_ =	shalt  }
0x49: {  	_ =	shalt  }
0x4a: {  	_ =	shalt  }
0x4b: {  	_ =	shalt  }
0x4c: {  	_ =	shalt  }
0x4d: {  	_ =	shalt  }
0x4e: {  	_ =	shalt  }
0x4f: {  	_ =	shalt  }
0x50: {  	_ =	shalt  }
0x51: {  	_ =	shalt  }
0x52: {  	_ =	shalt  }
0x53: {  	_ =	shalt  }
0x54: {  	_ =	shalt  }
0x55: {  	_ =	shalt  }
0x56: {  	_ =	shalt  }
0x57: {  	_ =	shalt  }
0x58: {  	_ =	shalt  }
0x59: {  	_ =	shalt  }
0x5a: {  	_ =	shalt  }
0x5b: {  	_ =	shalt  }
0x5c: {  	_ =	shalt  }
0x5d: {  	_ =	shalt  }
0x5e: {  	_ =	shalt  }
0x5f: {  	_ =	shalt  }
0x60: {  	_ =	shalt  }
0x61: {  	_ =	shalt  }
0x62: {  	_ =	shalt  }
0x63: {  	_ =	shalt  }
0x64: {  	_ =	shalt  }
0x65: {  	_ =	shalt  }
0x66: {  	_ =	shalt  }
0x67: {  	_ =	shalt  }
0x68: {  	_ =	shalt  }
0x69: {  	_ =	shalt  }
0x6a: {  	_ =	shalt  }
0x6b: {  	_ =	shalt  }
0x6c: {  	_ =	shalt  }
0x6d: {  	_ =	shalt  }
0x6e: {  	_ =	shalt  }
0x6f: {  	_ =	shalt  }
0x70: {  	_ =	shalt  }
0x71: {  	_ =	shalt  }
0x72: {  	_ =	shalt  }
0x73: {  	_ =	shalt  }
0x74: {  	_ =	shalt  }
0x75: {  	_ =	shalt  }
0x76: {  	_ =	shalt  }
0x77: {  	_ =	shalt  }
0x78: {  	_ =	shalt  }
0x79: {  	_ =	shalt  }
0x7a: {  	_ =	shalt  }
0x7b: {  	_ =	shalt  }
0x7c: {  	_ =	shalt  }
0x7d: {  	_ =	shalt  }
0x7e: {  	_ =	shalt  }
0x7f: {  	_ =	shalt  }
0x80: {  	_ =	shalt  }
0x81: {  	_ =	shalt  }
0x82: {  	_ =	shalt  }
0x83: {  	_ =	shalt  }
0x84: {  	_ =	shalt  }
0x85: {  	_ =	shalt  }
0x86: {  	_ =	shalt  }
0x87: {  	_ =	shalt  }
.Lfunc_end0:
.L_simem_size_0:
called_computation.1_lowered:
.L_overlay_start_0:
0x88: {  	s2 =	sld [smem:$0x3FD9]  }
0x89: {  	s3 =	sld [smem:$0x3FFE];
	_ =	sdelay $0x1  }
0x8a: {  	s1 =	srdreg.scid  }
0x8b: {  	s0 =	sand.u32 $0x1, s1  }
0x8c: {  	s17 =	sshll.u32 s0, $0xA;
	s2 =	sadd.s32 s3, s2  }
0x8d: {  	s2 =	sadd.s32 s2, s17  }
0x8e: {  	[smem:$0x3FC2] =	sst s2  }
0x8f: {  	_ = 	snop  }
0x90: {  	s2 =	sld [smem:$0x3FC8]  }
0x91: {  	s18 =	sld [smem:$0x3FD0];
	(tm) =	ssettm $0x1  }
0x92: {  	s4 =	sld [smem:$0x3FFB];
	_ =	sdelay $0x3  }
0x93: {  	_ =	strace s4  }
0x94: {  	s4 =	sld [smem:$0x3FFC];
	_ =	sdelay $0x3  }
0x95: {  	_ =	strace s4  }
0x96: {  	s4 =	sld [smem:$0x3FFD];
	_ =	sdelay $0x3  }
0x97: {  	_ =	strace s4  }
0x98: {  	_ =	strace $0x8FFFFFFF  }
0x99: {  	s19 =	sld [smem:$0x3FDB];
	_ =	sdelay $0x1  }
0x9a: {  	s5 =	simm.s32 $_scs_section_size  }
0x9b: {  	s6 =	simm.s32 $_size__tile_overlayer_lowered;
	s7 =	simm.s32 $_tile_overlayer_lowered  }
0x9c: {  	s22 =	simm.s32 $0x1BFF;
	s21 =	sshll.u32 s7, $0x1;
	s4 =	sadd.s32 s5, s19  }
0x9d: {  	s8 =	simm.s32 $0x0;
	s20 =	sshll.u32 s6, $0x1;
	s6 =	sadd.s32 s21, s4  }
0x9e: {  	[timem:s8], [sflag:s22] =	dma.local [hbm:s6], s20  }
0x9f: {  	_ =	swait.ge [sflag:s22], s20  }
0xa0: {  	s5 =	ssub.s32 $0x0, s20;
	[sflag:s22] =	ssyncset.done $0x0  }
0xa1: {  	[sflag:s22] =	ssyncadd.s32 s5;
	_ =	sdelay $0x1  }
0xa2: {  	s23 =	simm.s32 $0x1B8B  }
0xa3: {  	_ =	swait.ge [sflag:s23], $0x1  }
0xa4: {  	[sflag:s23] =	ssyncset.done $0x0  }
0xa5: {  	s25 =	simm.s32 $0x1B8E;
	s24 =	sld [smem:$0x3FFE];
	[sflag:s23] =	ssyncadd.s32 $0xFFFFFFFF  }
0xa6: {  	s26 =	simm.s32 $execute0_lowered;
	[smem:$0x3FD2] =	sst s25  }
0xa7: {  	s6 =	sshll.u32 s26, $0x1;
	_ =	strace $0x80000049;
	[dreg:$0x1] =	wrdreg $0xFFFFFFFF  }
0xa8: {  	s28 =	simm.s32 $_size_execute0_lowered;
	s4 =	sadd.s32 s4, s6;
	[dreg:$0x0] =	wrdreg $0x0  }
0xa9: {  	s6 =	sshll.u32 s28, $0x1;
	[dreg:$0x2] =	wrdreg s4  }
0xaa: {  	[dreg:$0x3] =	wrdreg s6  }
0xab: {  	[dreg:$0x4] =	wrdreg $0xC0  }
0xac: {  	_ =	task [dreg:s8], $0x5FFFF  }
0xad: {  	[dreg:$0x1] =	wrdreg $0xFFFFFFFF  }
0xae: {  	[dreg:$0x0] =	wrdreg $0x60  }
0xaf: {  	[dreg:$0x2] =	wrdreg s18  }
0xb0: {  	[dreg:$0x3] =	wrdreg s2  }
0xb1: {  	[dreg:$0x4] =	wrdreg s24  }
0xb2: {  	[dreg:$0x5] =	wrdreg $0xAD000  }
0xb3: {  	[dreg:$0x6] =	wrdreg $0x9  }
0xb4: {  	_ =	task.clear_ibuf [dreg:s8], $0x7FFFF;
	_ =	strace $0x90000049  }
0xb5: {  	s29 =	simm.s32 $0x9;
	_ =	strace $0x8000004B  }
0xb6: {  	_ =	swait.ge [sflag:s29], $0x1  }
0xb7: {  	[sflag:s29] =	ssyncadd.s32 $0xFFFFFFFF  }
0xb8: {  	_ =	strace $0x9000004B  }
0xb9: {  	_ =	sfence  }
0xba: {  	s30 =	sld [smem:$0x0];
	_ =	sdelay $0x2  }
0xbb: {  	s31 =	sshll.u32 s1, $0xD;
	s1 =	sshrl.u32 s1, $0x2  }
0xbc: {  	s3 =	sand.u32 $0x4000, s31;
	s1 =	sadd.s32 s1, s30  }
0xbd: {  	s0 =	sor.u32 s3, s0;
	s1 =	sshll.u32 s1, $0x11  }
0xbe: {  	s0 =	sor.u32 s1, s0  }
0xbf: {  	s0 =	sadd.s32 $0x8F2B, s0  }
0xc0: {  	[sflag:s0] =	ssyncadd.remote.s32 $0x1  }
0xc1: {  	_ =	sfence.sel $0xFFFF  }
0xc2: {  	[dreg:$0x0] =	wrdreg $0xFFFFFFFF;
	(pc) =	sbr.abs _section_cstart, $3  }
0xc3: {  	[dreg:$0x1] =	wrdreg $0xFFFFFFFF  }
0xc4: {  	_ =	task.clear_ibuf [dreg:s8], $0x2FFFF;
	_ =	strace $0x9FFFFFFF  }
0xc5: {  	(tm) =	ssettm $0x7FFFFFFF  }
tec
execute0_lowered:
.L_overlay_start_1:
0x0: {  	(tag) =	ssettag $0x1  }
0x1: {  	s1 =	rddreg [dreg:$0x0]  }
0x2: {  	s0 =	rddreg [dreg:$0x1]  }
0x3: {  	s3 =	rddreg [dreg:$0x2]  }
0x4: {  	s2 =	rddreg [dreg:$0x3]  }
0x5: {  	s4 =	srdreg.scid;
	s13 =	stileid.u32  }
0x6: {  	s29 =	simm.s32 $0x1;
	s30 =	simm.s32 $0x9;
	s28 =	simm.s32 $0x2900  }
0x7: {  	s31 =	simm.s32 $0x2A00;
	s14 =	simm.s32 $0x2B00;
	s7 =	smul.u32 $0x14000, s13  }
0x8: {  	s5 =	sand.u32 $0x1, s4;
	s4 =	simm.s32 $0x0;
	s10 =	smul.u32 $0x50000, s13  }
0x9: {  	s9 =	sadd.s32 $0x1800, s3;
	s20 =	smul.u32 $0x4E, s13;
	s21 =	sshll.u32 s13, $0x5  }
0xa: {  	s12 =	sadd.s32 $0x20, s0;
	s26 =	sshll.u32 s13, $0x6;
	s6 =	smul.u32 $0x140000, s5  }
0xb: {  	[smem:$0x7FF] =	sst s4;
	s8 =	sshll.u32 s5, $0x4;
	s17 =	ssub.s32 $0x2, s5  }
0xc: {  	s5 =	smul.u32 $0x4E0, s5;
	_ =	strace $0x8000004A;
	s8 =	sor.u32 s13, s8  }
0xd: {  	[dreg:$0x5] =	wrdreg s9;
	s18 =	sshrl.u32 s17, $0x1;
	s19 =	sshrl.u32 s10, $0x2  }
0xe: {  	s13 =	simm.s32 $0xC;
	s10 =	simm.s32 $0x2CC0;
	s6 =	sadd.s32 s7, s6  }
0xf: {  	s16 =	smul.u32 $0x9C0, s8;
	s9 =	sadd.s32 s19, s2;
	s5 =	sadd.s32 s20, s5  }
0x10: {  	s20 =	simm.s32 $0xD;
	s19 =	simm.s32 $0x2D00;
	p0 =	sgt.u32 s8, $0x3  }
0x11: {  	s8 =	simm.s32 $0x2B80;
	s6 =	sshrl.u32 s6, $0x3;
	s5 =	sshll.u32 s5, $0x5  }
0x12: {  	s3 =	sadd.s32 s6, s3;
	s6 =	ssub.s32 s17, s18;
	s11 =	sadd.s32 s0, s16  }
0x13: {  	s7 =	sadd.s32 s16, s12;
	s24 =	sadd.s32 $0x40, s5;
	s18 =	simm.s32 $0x40  }
0x14: {  	s5 =	simm.s32 $0xB;
	s16 =	simm.s32 $0x6;
	[dreg:$0x6] =	wrdreg s11  }
0x15: {  	s17 =	simm.s32 $0x7;
	s11 =	sadd.s32 s21, s0;
	[dreg:$0x7] =	wrdreg s7  }
0x16: {  	s3 =	sadd.s32 $0x4000, s3;
	s23 =	smax.u32 s6, $0x1;
	s0 =	sadd.s32 s0, s24  }
0x17: {  	s25 =	sadd.s32 s24, s12;
	s24 =	sshrl.u32 s9, $0x3;
	[dreg:$0x9] =	wrdreg s3  }
0x18: {  	s21 =	simm.s32 $0x4D00;
	s9 =	simm.s32 $0x4;
	[dreg:$0xa] =	wrdreg s23  }
0x19: {  	s7 =	simm.s32 $0x5;
	s6 =	simm.s32 $0x8;
	[dreg:$0xb] =	wrdreg s0  }
0x1a: {  	s12 =	simm.s32 $0x0;
	s22 =	sadd.s32 $0x13800, s11;
	[dreg:$0xc] =	wrdreg s25  }
0x1b: {  	s23 =	simm.s32 $0x6D00;
	s0 =	simm.s32 $0x2;
	[dreg:$0xe] =	wrdreg s24  }
0x1c: {  	s3 =	simm.s32 $0xA;
	[dreg:$0x8] =	wrdreg s22;
	s22 =	sor.u32 $0x1C0D, s26  }
0x1d: {  	s25 =	simm.s32 $0x3;
	s26 =	simm.s32 $0x8D00;
	[dreg:$0xd] =	wrdreg s22  }
.LBB2_1:
0x1e: {  	[dreg:$0xf] =	wrdreg s12  }
0x1f: {  	s12 =	rddreg [dreg:$0x6];
	s15 =	simm.s32 $0x80;
	s11 =	simm.s32 $0x100  }
0x20: {  	[tilespmem:s4], [sflag:$0xD] =	stream.strided.gather [hbm4b:s12+s15], $0x2700, s11, s15, $0x38;
	[tilespmem:$0x1ED00] =	vst v63  }
0x21: {  	_ =	swait.ge [sflag:s20], $0x2700  }
0x22: {  	[sflag:s20] =	ssyncset.done $0x0  }
0x23: {  	s11 =	rddreg [dreg:$0x5];
	[sflag:s20] =	ssyncadd.s32 $0xFFFFD900  }
0x24: {  	[spmem:s24], [sflag:s22] =	dma.local [hbm:s11], $0x2800  }
0x25: {  	_ =	swait.ge [sflag:s20], $0x2800  }
0x26: {  	[sflag:s20] =	ssyncset.done $0x0  }
0x27: {  	[sflag:s20] =	ssyncadd.s32 $0xFFFFD800  }
0x28: {  	[bflag:$0x0] =	sbarrier.arrive $0xFFFF  }
0x29: {  	[tilespmem:s19], [sflag:$0x1] =	stream.indirect.gather [hbm4b:s1+s18], $0x80, s4, s18, $0xb8;
	[tilespmem:$0x1ED00] =	vst v63  }
0x2a: {  	_ = 	snop  }
0x2b: {  	[tilespmem:s28], [sflag:$0x9] =	stream.linear.gather [hbm4b:s12+s4], $0x100, $0x38;
	[tilespmem:$0x1ED00] =	vst v63  }
0x2c: {  	_ = 	snop  }
0x2d: {  	[tilespmem:s21], [sflag:$0x2] =	stream.indirect.gather [hbm4b:s1+s18], $0x80, s18, s18, $0xb8;
	[tilespmem:$0x1ED00] =	vst v63  }
0x2e: {  	_ = 	snop  }
0x2f: {  	[tilespmem:s31], [sflag:$0xA] =	stream.linear.gather [hbm4b:s12+s4], $0x100, $0x38;
	[tilespmem:$0x1ED00] =	vst v63  }
0x30: {  	_ = 	snop  }
0x31: {  	[tilespmem:s23], [sflag:$0x3] =	stream.indirect.gather [hbm4b:s1+s18], $0x80, s15, s18, $0xb8;
	[tilespmem:$0x1ED00] =	vst v63  }
0x32: {  	s15 =	rddreg [dreg:$0x7]  }
0x33: {  	[tilespmem:s14], [sflag:$0xB] =	stream.linear.gather [hbm4b:s15+s4], $0x100, $0x38;
	[tilespmem:$0x1ED00] =	vst v63  }
0x34: {  	s20 =	simm.s32 $0xC0  }
0x35: {  	[tilespmem:s26], [sflag:$0x4] =	stream.indirect.gather [hbm4b:s1+s18], $0x80, s20, s18, $0xb8;
	[tilespmem:$0x1ED00] =	vst v63  }
0x36: {  	s22 =	simm.s32 $0x2C00  }
0x37: {  	[tilespmem:s22], [sflag:$0xC] =	stream.linear.gather [hbm4b:s15+s4], $0x100, $0x38;
	[tilespmem:$0x1ED00] =	vst v63  }
0x38: {  	_ =	swait.ge [sflag:s29], $0x2000  }
0x39: {  	[sflag:s29] =	ssyncset.done $0x0  }
0x3a: {  	[sflag:s29] =	ssyncadd.s32 $0xFFFFE000  }
0x3b: {  	_ =	swait.ge [sflag:s30], $0x100  }
0x3c: {  	[sflag:s30] =	ssyncset.done $0x0  }
0x3d: {  	s24 =	simm.s32 $0x2980;
	[sflag:s30] =	ssyncadd.s32 $0xFFFFFF00  }
0x3e: {  	[spmem:s2] =	stream.indirect.scatter.add.f32 [tilespmem:s19], [sflag:$0x5], $0x80, s24, s18, $0xb8;
	[tilespmem:$0x1ED00] =	vst v63  }
0x3f: {  	_ =	swait.ge [sflag:s0], $0x2000  }
0x40: {  	[sflag:s0] =	ssyncset.done $0x0  }
0x41: {  	[sflag:s0] =	ssyncadd.s32 $0xFFFFE000  }
0x42: {  	_ =	swait.ge [sflag:s3], $0x100  }
0x43: {  	[sflag:s3] =	ssyncset.done $0x0  }
0x44: {  	s12 =	simm.s32 $0x2AC0;
	[sflag:s3] =	ssyncadd.s32 $0xFFFFFF00  }
0x45: {  	[spmem:s2] =	stream.indirect.scatter.add.f32 [tilespmem:s21], [sflag:$0x6], $0x80, s12, s18, $0xb8;
	[tilespmem:$0x1ED00] =	vst v63  }
0x46: {  	_ =	swait.ge [sflag:s25], $0x2000  }
0x47: {  	[sflag:s25] =	ssyncset.done $0x0  }
0x48: {  	[sflag:s25] =	ssyncadd.s32 $0xFFFFE000  }
0x49: {  	_ =	swait.ge [sflag:s5], $0x100  }
0x4a: {  	[sflag:s5] =	ssyncset.done $0x0  }
0x4b: {  	[sflag:s5] =	ssyncadd.s32 $0xFFFFFF00  }
0x4c: {  	[spmem:s2] =	stream.indirect.scatter.add.f32 [tilespmem:s23], [sflag:$0x7], $0x80, s8, s18, $0xb8;
	[tilespmem:$0x1ED00] =	vst v63  }
0x4d: {  	_ =	swait.ge [sflag:s9], $0x2000  }
0x4e: {  	[sflag:s9] =	ssyncset.done $0x0  }
0x4f: {  	[sflag:s9] =	ssyncadd.s32 $0xFFFFE000  }
0x50: {  	_ =	swait.ge [sflag:s13], $0x100  }
0x51: {  	[sflag:s13] =	ssyncset.done $0x0  }
0x52: {  	[sflag:s13] =	ssyncadd.s32 $0xFFFFFF00  }
0x53: {  	[spmem:s2] =	stream.indirect.scatter.add.f32 [tilespmem:s26], [sflag:$0x8], $0x80, s10, s18, $0xb8;
	[tilespmem:$0x1ED00] =	vst v63  }
0x54: {  	_ =	swait.ge [sflag:s7], $0x2000  }
0x55: {  	[sflag:s7] =	ssyncset.done $0x0  }
0x56: {  	s15 =	simm.s32 $0x100;
	[sflag:s7] =	ssyncadd.s32 $0xFFFFE000  }
0x57: {  	[tilespmem:s19], [sflag:$0x1] =	stream.indirect.gather [hbm4b:s1+s18], $0x80, s15, s18, $0xb8;
	[tilespmem:$0x1ED00] =	vst v63  }
0x58: {  	s15 =	rddreg [dreg:$0xb]  }
0x59: {  	[tilespmem:s28], [sflag:$0x9] =	stream.linear.gather [hbm4b:s15+s4], $0x100, $0x38;
	[tilespmem:$0x1ED00] =	vst v63  }
0x5a: {  	_ =	swait.ge [sflag:s16], $0x2000  }
0x5b: {  	[sflag:s16] =	ssyncset.done $0x0  }
0x5c: {  	s20 =	simm.s32 $0x140;
	[sflag:s16] =	ssyncadd.s32 $0xFFFFE000  }
0x5d: {  	[tilespmem:s21], [sflag:$0x2] =	stream.indirect.gather [hbm4b:s1+s18], $0x80, s20, s18, $0xb8;
	[tilespmem:$0x1ED00] =	vst v63  }
0x5e: {  	_ = 	snop  }
0x5f: {  	[tilespmem:s31], [sflag:$0xA] =	stream.linear.gather [hbm4b:s15+s4], $0x100, $0x38;
	[tilespmem:$0x1ED00] =	vst v63  }
0x60: {  	_ =	swait.ge [sflag:s17], $0x2000  }
0x61: {  	[sflag:s17] =	ssyncset.done $0x0  }
0x62: {  	s22 =	simm.s32 $0x180;
	[sflag:s17] =	ssyncadd.s32 $0xFFFFE000  }
0x63: {  	[tilespmem:s23], [sflag:$0x3] =	stream.indirect.gather [hbm4b:s1+s18], $0x80, s22, s18, $0xb8;
	[tilespmem:$0x1ED00] =	vst v63  }
0x64: {  	s20 =	rddreg [dreg:$0xc]  }
0x65: {  	[tilespmem:s14], [sflag:$0xB] =	stream.linear.gather [hbm4b:s20+s4], $0x100, $0x38;
	[tilespmem:$0x1ED00] =	vst v63  }
0x66: {  	_ =	swait.ge [sflag:s6], $0x2000  }
0x67: {  	s24 =	simm.s32 $0x1C0;
	s12 =	simm.s32 $0x400;
	[sflag:s6] =	ssyncset.done $0x0  }
0x68: {  	s15 =	sadd.s32 $0x40, s15;
	s11 =	sadd.s32 $0x40, s20;
	[sflag:s6] =	ssyncadd.s32 $0xFFFFE000  }
0x69: {  	[tilespmem:s26], [sflag:$0x4] =	stream.indirect.gather [hbm4b:s1+s18], $0x80, s24, s18, $0xb8;
	[tilespmem:$0x1ED00] =	vst v63  }
.LBB2_2:
0x6a: {  	s22 =	simm.s32 $0x2C00  }
0x6b: {  	[tilespmem:s22], [sflag:$0xC] =	stream.linear.gather [hbm4b:s20+s4], $0x100, $0x38;
	[tilespmem:$0x1ED00] =	vst v63  }
0x6c: {  	s22 =	smov.u32 s12;
	s20 =	smov.u32 s11  }
0x6d: {  	p1 =	sne.s32 s12, $0x9400;
	s12 =	sadd.s32 $0x400, s12;
	_ =	swait.ge [sflag:s29], $0x2000  }
0x6e: {  	[sflag:s29] =	ssyncset.done $0x0  }
0x6f: {  	[sflag:s29] =	ssyncadd.s32 $0xFFFFE000  }
0x70: {  	_ =	swait.ge [sflag:s30], $0x100  }
0x71: {  	[sflag:s30] =	ssyncset.done $0x0  }
0x72: {  	s24 =	simm.s32 $0x2980;
	[sflag:s30] =	ssyncadd.s32 $0xFFFFFF00  }
0x73: {  	[spmem:s2] =	stream.indirect.scatter.add.f32 [tilespmem:s19], [sflag:$0x5], $0x80, s24, s18, $0xb8;
	[tilespmem:$0x1ED00] =	vst v63  }
0x74: {  	_ =	swait.ge [sflag:s0], $0x2000  }
0x75: {  	[sflag:s0] =	ssyncset.done $0x0  }
0x76: {  	[sflag:s0] =	ssyncadd.s32 $0xFFFFE000  }
0x77: {  	_ =	swait.ge [sflag:s3], $0x100  }
0x78: {  	[sflag:s3] =	ssyncset.done $0x0  }
0x79: {  	s24 =	simm.s32 $0x2AC0;
	[sflag:s3] =	ssyncadd.s32 $0xFFFFFF00  }
0x7a: {  	[spmem:s2] =	stream.indirect.scatter.add.f32 [tilespmem:s21], [sflag:$0x6], $0x80, s24, s18, $0xb8;
	[tilespmem:$0x1ED00] =	vst v63  }
0x7b: {  	_ =	swait.ge [sflag:s25], $0x2000  }
0x7c: {  	[sflag:s25] =	ssyncset.done $0x0  }
0x7d: {  	[sflag:s25] =	ssyncadd.s32 $0xFFFFE000  }
0x7e: {  	_ =	swait.ge [sflag:s5], $0x100  }
0x7f: {  	[sflag:s5] =	ssyncset.done $0x0  }
0x80: {  	[sflag:s5] =	ssyncadd.s32 $0xFFFFFF00  }
0x81: {  	[spmem:s2] =	stream.indirect.scatter.add.f32 [tilespmem:s23], [sflag:$0x7], $0x80, s8, s18, $0xb8;
	[tilespmem:$0x1ED00] =	vst v63  }
0x82: {  	_ =	swait.ge [sflag:s9], $0x2000  }
0x83: {  	[sflag:s9] =	ssyncset.done $0x0  }
0x84: {  	[sflag:s9] =	ssyncadd.s32 $0xFFFFE000  }
0x85: {  	_ =	swait.ge [sflag:s13], $0x100  }
0x86: {  	[sflag:s13] =	ssyncset.done $0x0  }
0x87: {  	[sflag:s13] =	ssyncadd.s32 $0xFFFFFF00  }
0x88: {  	[spmem:s2] =	stream.indirect.scatter.add.f32 [tilespmem:s26], [sflag:$0x8], $0x80, s10, s18, $0xb8;
	[tilespmem:$0x1ED00] =	vst v63  }
0x89: {  	_ =	swait.ge [sflag:s7], $0x2000  }
0x8a: {  	s22 =	sshra.s32 s22, $0x2;
	[sflag:s7] =	ssyncset.done $0x0  }
0x8b: {  	s24 =	sadd.s32 $0x100, s22;
	[sflag:s7] =	ssyncadd.s32 $0xFFFFE000  }
0x8c: {  	[tilespmem:s19], [sflag:$0x1] =	stream.indirect.gather [hbm4b:s1+s18], $0x80, s24, s18, $0xb8;
	[tilespmem:$0x1ED00] =	vst v63  }
0x8d: {  	_ = 	snop  }
0x8e: {  	[tilespmem:s28], [sflag:$0x9] =	stream.linear.gather [hbm4b:s15+s4], $0x100, $0x38;
	[tilespmem:$0x1ED00] =	vst v63  }
0x8f: {  	_ =	swait.ge [sflag:s16], $0x2000  }
0x90: {  	[sflag:s16] =	ssyncset.done $0x0  }
0x91: {  	s24 =	sadd.s32 $0x140, s22;
	[sflag:s16] =	ssyncadd.s32 $0xFFFFE000  }
0x92: {  	[tilespmem:s21], [sflag:$0x2] =	stream.indirect.gather [hbm4b:s1+s18], $0x80, s24, s18, $0xb8;
	[tilespmem:$0x1ED00] =	vst v63  }
0x93: {  	_ = 	snop  }
0x94: {  	[tilespmem:s31], [sflag:$0xA] =	stream.linear.gather [hbm4b:s15+s4], $0x100, $0x38;
	[tilespmem:$0x1ED00] =	vst v63  }
0x95: {  	_ =	swait.ge [sflag:s17], $0x2000  }
0x96: {  	[sflag:s17] =	ssyncset.done $0x0  }
0x97: {  	s24 =	sadd.s32 $0x180, s22;
	[sflag:s17] =	ssyncadd.s32 $0xFFFFE000  }
0x98: {  	[tilespmem:s23], [sflag:$0x3] =	stream.indirect.gather [hbm4b:s1+s18], $0x80, s24, s18, $0xb8;
	[tilespmem:$0x1ED00] =	vst v63  }
0x99: {  	_ = 	snop  }
0x9a: {  	[tilespmem:s14], [sflag:$0xB] =	stream.linear.gather [hbm4b:s11+s4], $0x100, $0x38;
	[tilespmem:$0x1ED00] =	vst v63  }
.Ltmp0:
0x9b: {  	_ =	swait.ge [sflag:s6], $0x2000;
	(pc) =	sbr.rel @p1 .LBB2_2-.Ltmp0, $4  }
0x9c: {  	[sflag:s6] =	ssyncset.done $0x0  }
0x9d: {  	s22 =	sadd.s32 $0x1C0, s22;
	[sflag:s6] =	ssyncadd.s32 $0xFFFFE000  }
0x9e: {  	[tilespmem:s26], [sflag:$0x4] =	stream.indirect.gather [hbm4b:s1+s18], $0x80, s22, s18, $0xb8;
	[tilespmem:$0x1ED00] =	vst v63  }
0x9f: {  	s15 =	sadd.s32 $0x40, s15;
	s11 =	sadd.s32 $0x40, s11  }
0xa0: {  	s11 =	simm.s32 $0x2C00  }
0xa1: {  	[tilespmem:s11], [sflag:$0xC] =	stream.linear.gather [hbm4b:s20+s4], $0x100, $0x38;
	[tilespmem:$0x1ED00] =	vst v63  }
0xa2: {  	_ =	swait.ge [sflag:s29], $0x2000  }
0xa3: {  	[sflag:s29] =	ssyncset.done $0x0  }
0xa4: {  	[sflag:s29] =	ssyncadd.s32 $0xFFFFE000  }
0xa5: {  	_ =	swait.ge [sflag:s30], $0x100  }
0xa6: {  	[sflag:s30] =	ssyncset.done $0x0  }
0xa7: {  	s12 =	simm.s32 $0x2980;
	[sflag:s30] =	ssyncadd.s32 $0xFFFFFF00  }
0xa8: {  	[spmem:s2] =	stream.indirect.scatter.add.f32 [tilespmem:s19], [sflag:$0x5], $0x80, s12, s18, $0xb8;
	[tilespmem:$0x1ED00] =	vst v63  }
0xa9: {  	_ =	swait.ge [sflag:s0], $0x2000  }
0xaa: {  	[sflag:s0] =	ssyncset.done $0x0  }
0xab: {  	[sflag:s0] =	ssyncadd.s32 $0xFFFFE000  }
0xac: {  	_ =	swait.ge [sflag:s3], $0x100  }
0xad: {  	[sflag:s3] =	ssyncset.done $0x0  }
0xae: {  	s15 =	simm.s32 $0x2AC0;
	[sflag:s3] =	ssyncadd.s32 $0xFFFFFF00  }
0xaf: {  	[spmem:s2] =	stream.indirect.scatter.add.f32 [tilespmem:s21], [sflag:$0x6], $0x80, s15, s18, $0xb8;
	[tilespmem:$0x1ED00] =	vst v63  }
0xb0: {  	_ =	swait.ge [sflag:s25], $0x2000  }
0xb1: {  	[sflag:s25] =	ssyncset.done $0x0  }
0xb2: {  	[sflag:s25] =	ssyncadd.s32 $0xFFFFE000  }
0xb3: {  	_ =	swait.ge [sflag:s5], $0x100  }
0xb4: {  	[sflag:s5] =	ssyncset.done $0x0  }
0xb5: {  	[sflag:s5] =	ssyncadd.s32 $0xFFFFFF00  }
0xb6: {  	[spmem:s2] =	stream.indirect.scatter.add.f32 [tilespmem:s23], [sflag:$0x7], $0x80, s8, s18, $0xb8;
	[tilespmem:$0x1ED00] =	vst v63  }
0xb7: {  	_ =	swait.ge [sflag:s9], $0x2000  }
0xb8: {  	[sflag:s9] =	ssyncset.done $0x0  }
0xb9: {  	[sflag:s9] =	ssyncadd.s32 $0xFFFFE000  }
0xba: {  	_ =	swait.ge [sflag:s13], $0x100  }
0xbb: {  	[sflag:s13] =	ssyncset.done $0x0  }
0xbc: {  	[sflag:s13] =	ssyncadd.s32 $0xFFFFFF00  }
0xbd: {  	[spmem:s2] =	stream.indirect.scatter.add.f32 [tilespmem:s26], [sflag:$0x8], $0x80, s10, s18, $0xb8;
	[tilespmem:$0x1ED00] =	vst v63  }
0xbe: {  	_ =	swait.ge [sflag:s7], $0x2000  }
0xbf: {  	[sflag:s7] =	ssyncset.done $0x0  }
0xc0: {  	[sflag:s7] =	ssyncadd.s32 $0xFFFFE000  }
0xc1: {  	_ =	swait.ge [sflag:s16], $0x2000  }
0xc2: {  	[sflag:s16] =	ssyncset.done $0x0  }
0xc3: {  	[sflag:s16] =	ssyncadd.s32 $0xFFFFE000  }
0xc4: {  	_ =	swait.ge [sflag:s17], $0x2000  }
0xc5: {  	[sflag:s17] =	ssyncset.done $0x0  }
0xc6: {  	[sflag:s17] =	ssyncadd.s32 $0xFFFFE000  }
0xc7: {  	_ =	swait.ge [sflag:s6], $0x2000  }
0xc8: {  	s11 =	simm.s32 @!p0 $0x0;
	[sflag:s6] =	ssyncset.done $0x0  }
0xc9: {  	s12 =	simm.s32 @!p0 $0x2800;
	s15 =	rddreg [dreg:$0x8];
	[sflag:s6] =	ssyncadd.s32 $0xFFFFE000  }
0xca: {  	[tilespmem:s12], [sflag:$0xD] =	stream.linear.gather @!p0 [hbm4b:s15+s11], $0x100, $0x38;
	[tilespmem:$0x1ED00] =	vst v63  }
0xcb: {  	s11 =	simm.s32 @!p0 $0xD  }
0xcc: {  	_ =	swait.ge @!p0 [sflag:s11], $0x100  }
0xcd: {  	[sflag:s11] =	ssyncset.done @!p0 $0x0  }
0xce: {  	s20 =	simm.s32 @!p0 $0x2D00;
	s15 =	simm.s32 @!p0 $0x40;
	[sflag:s11] =	ssyncadd.s32 @!p0 $0xFFFFFF00  }
0xcf: {  	[tilespmem:s20], [sflag:$0xD] =	stream.indirect.gather @!p0 [hbm4b:s1+s15], $0x80, s12, s15, $0xb8;
	[tilespmem:$0x1ED00] =	vst v63  }
0xd0: {  	_ =	swait.ge @!p0 [sflag:s11], $0x2000  }
0xd1: {  	[sflag:s11] =	ssyncset.done @!p0 $0x0  }
0xd2: {  	s12 =	simm.s32 @!p0 $0x2880;
	[sflag:s11] =	ssyncadd.s32 @!p0 $0xFFFFE000  }
0xd3: {  	[spmem:s2] =	stream.indirect.scatter.add.f32 @!p0 [tilespmem:s20], [sflag:$0xD], $0x80, s12, s15, $0xb8;
	[tilespmem:$0x1ED00] =	vst v63  }
0xd4: {  	_ =	swait.ge @!p0 [sflag:s11], $0x2000  }
0xd5: {  	[sflag:s11] =	ssyncset.done @!p0 $0x0  }
0xd6: {  	s12 =	simm.s32 @!p0 $0x2840;
	[sflag:s11] =	ssyncadd.s32 @!p0 $0xFFFFE000  }
0xd7: {  	[tilespmem:s20], [sflag:$0xD] =	stream.indirect.gather @!p0 [hbm4b:s1+s15], $0x80, s12, s15, $0xb8;
	[tilespmem:$0x1ED00] =	vst v63  }
0xd8: {  	_ =	swait.ge @!p0 [sflag:s11], $0x2000  }
0xd9: {  	[sflag:s11] =	ssyncset.done @!p0 $0x0  }
0xda: {  	s12 =	simm.s32 @!p0 $0x28C0;
	[sflag:s11] =	ssyncadd.s32 @!p0 $0xFFFFE000  }
0xdb: {  	[spmem:s2] =	stream.indirect.scatter.add.f32 @!p0 [tilespmem:s20], [sflag:$0xD], $0x80, s12, s15, $0xb8;
	[tilespmem:$0x1ED00] =	vst v63  }
0xdc: {  	_ =	swait.ge @!p0 [sflag:s11], $0x2000  }
0xdd: {  	[sflag:s11] =	ssyncset.done @!p0 $0x0  }
0xde: {  	[sflag:s11] =	ssyncadd.s32 @!p0 $0xFFFFE000  }
0xdf: {  	[bflag:$0x0] =	sbarrier.arrive $0xFFFF  }
0xe0: {  	s20 =	rddreg [dreg:$0x9]  }
0xe1: {  	s22 =	rddreg [dreg:$0xd]  }
0xe2: {  	s24 =	rddreg [dreg:$0xe]  }
0xe3: {  	[hbm:s20], [sflag:s22] =	dma.local [spmem:s24], $0x2800  }
0xe4: {  	s20 =	simm.s32 $0xD  }
0xe5: {  	_ =	swait.ge [sflag:s20], $0x2800  }
0xe6: {  	s11 =	rddreg [dreg:$0xf]  }
0xe7: {  	s15 =	rddreg [dreg:$0xa];
	s12 =	sadd.s32 $0x1, s11  }
0xe8: {  	p1 =	sne.s32 s12, s15  }
.Ltmp1:
0xe9: {  	_ = 	snop;
	(pc) =	sbr.rel @p1 .LBB2_1-.Ltmp1, $3  }
0xea: {  	_ =	sdelay $0x1  }
0xeb: {  	[sflag:s20] =	ssyncset.done $0x0  }
0xec: {  	[sflag:s20] =	ssyncadd.s32 $0xFFFFD800  }
0xed: {  	_ =	sfence.sel $0x180000  }
0xee: {  	[bflag:$0x0] =	sbarrier.arrive $0xFFFF  }
0xef: {  	_ =	strace $0x9000004A  }
0xf0: {  	s0 =	stileid.u32;
	[bflag:$0x2] =	sbarrier.arrive $0xFFFF  }
0xf1: {  	p0 =	sne.s32 s0, $0x0;
	s0 =	rddreg [dreg:$0x4]  }
0xf2: {  	s0 =	sadd.s32 @!p0 $0x100000, s0  }
0xf3: {  	[sflag:s0] =	ssyncadd.tile.s32 @!p0 $0x1;
	_ =	shalt  }
.Lfunc_end2:
_tile_overlayer_lowered:
.L_overlay_start_2:
0xf4: {  	(tag) =	ssettag $0x2  }
0xf5: {  	s0 =	rddreg [dreg:$0x0];
	s2 =	stileid.u32  }
0xf6: {  	s1 =	rddreg [dreg:$0x1];
	p0 =	sne.s32 s2, $0x0  }
0xf7: {  	s3 =	rddreg [dreg:$0x2];
	[bflag:$0x3] =	sbarrier.arrive $0xFFFF;
	s2 =	simm.s32 @!p0 $0x1C0D  }
0xf8: {  	[timem:s3], [sflag:s2] =	dma.local @!p0 [hbm:s0], s1  }
0xf9: {  	s0 =	simm.s32 @!p0 $0xD  }
0xfa: {  	_ =	swait.ge @!p0 [sflag:s0], s1  }
0xfb: {  	s1 =	ssub.s32 @!p0 $0x0, s1;
	[sflag:s0] =	ssyncset.done @!p0 $0x0  }
0xfc: {  	[sflag:s0] =	ssyncadd.s32 @!p0 s1  }
0xfd: {  	[bflag:$0x3] =	sbarrier.arrive $0xFFFF  }
0xfe: {  	_ =	shalt  }

// kernel: kernel.7.cloned.1.call-start
scs
__scs_entry_jumppad:
0x0: {  	(pc) =	sbr.rel $0x88, $3  }
0x1: {  	(tag) =	ssettag $0x0;
	lr =	simm.s32 $0x1  }
0x2: {  	[smem:$0x3F9B] =	sst lr;
	_ =	strace $0xD0000000  }
0x3: {  	_ = 	snop  }
0x4: {  	_ = 	snop  }
0x5: {  	_ = 	snop  }
0x6: {  	_ = 	snop  }
0x7: {  	_ = 	snop  }
__scs_overlays_trampoline_lowered:
0x8: {  	[smem:$0x3FAA] =	sst s0  }
0x9: {  	[smem:$0x3FAB] =	sst s1  }
0xa: {  	[smem:$0x3FAC] =	sst s2  }
0xb: {  	[smem:$0x3FAD] =	sst s3  }
0xc: {  	[smem:$0x3FAE] =	sst s4  }
0xd: {  	[smem:$0x3FAF] =	sst s5  }
0xe: {  	[smem:$0x3FB0] =	sst s6  }
0xf: {  	[smem:$0x3FB1] =	sst s7  }
0x10: {  	[smem:$0x3FB2] =	sst s8  }
0x11: {  	[smem:$0x3FB3] =	sst s9;
	s0 =	simm.s32 @!p0 $0x0  }
0x12: {  	s1 =	sld [smem:$0x3F99];
	s0 =	simm.s32 @p0 $0x1  }
0x13: {  	[smem:$0x3FB4] =	sst s0;
	s0 =	simm.s32 @!p1 $0x0  }
0x14: {  	s2 =	sld [smem:$0x3F98];
	s0 =	simm.s32 @p1 $0x1  }
0x15: {  	[smem:$0x3FB5] =	sst s0;
	s0 =	simm.s32 @!p2 $0x0  }
0x16: {  	s3 =	sld [smem:$0x3FDB];
	s0 =	simm.s32 @p2 $0x1  }
0x17: {  	s4 =	simm.s32 $0x1BF5;
	[smem:$0x3FB7] =	sst s0  }
0x18: {  	s0 =	sld [smem:$0x3F9A];
	_ =	swait.ge [sflag:s4], $0x0  }
0x19: {  	s7 =	sld [smem:$0x3F9B]  }
0x1a: {  	s8 =	sadd.s32 $0xFFFFE003, lr  }
0x1b: {  	s9 =	sadd.s32 $0xFFFFFEF7, lr;
	s5 =	simm.s32 $0xFFFFFFFF;
	p2 =	slt.u32 s8, $0xFFFFF086  }
0x1c: {  	p1 =	slt.u32 s9, $0xF7A;
	s5 =	simm.s32 @!p2 $0x0  }
0x1d: {  	s5 =	simm.s32 @p1 $0x1;
	p0 =	seq.s32 s7, s2  }
0x1e: {  	s7 =	smul.u32 @!p0 $0xF7A, s2;
	p2 =	seq.s32 @!p0 s5, $0x0  }
0x1f: {  	s9 =	smul.u32 $0xF7A, s1;
	s8 =	simm.s32 @!p0 $0x1BF5;
	p2 =	por !p2, p0  }
0x20: {  	[sflag:s8] =	ssyncset.s32 @!p0 $0xFFFFF086;
	s6 =	sadd.s32 @!p0 s3, s7;
	s7 =	simm.s32 @!p0 $0x108  }
0x21: {  	s3 =	sadd.s32 s3, s9;
	s6 =	sadd.s32 @!p0 $0x88, s6;
	s7 =	simm.s32 @p2 $0x1082  }
0x22: {  	[simem:s7], [sflag:s8] =	dma.local @!p0 [hbm:s6], $0xF7A  }
0x23: {  	s9 =	sor.u32 $0xD0000000, s2;
	s6 =	simm.s32 $0x108;
	_ =	swait.ge @!p0 [sflag:s8], $0x0  }
0x24: {  	s3 =	sadd.s32 $0x88, s3;
	s6 =	simm.s32 @!p1 $0x1082;
	[sflag:s4] =	ssyncset.s32 $0xFFFFF086  }
0x25: {  	[simem:s6], [sflag:s4] =	dma.local [hbm:s3], $0xF7A  }
0x26: {  	[smem:$0x3F9B] =	sst s1;
	(tag) =	ssettag s2;
	_ =	strace s9  }
0x27: {  	s1 =	sld [smem:$0x3FAB]  }
0x28: {  	s2 =	sld [smem:$0x3FAC]  }
0x29: {  	s4 =	sld [smem:$0x3FAE]  }
0x2a: {  	p0 =	seq.s32 s5, $0x0;
	s5 =	sld [smem:$0x3FAF]  }
0x2b: {  	s6 =	sld [smem:$0x3FB0]  }
0x2c: {  	s7 =	sld [smem:$0x3FB1]  }
0x2d: {  	s3 =	simm.s32 $0x108;
	s8 =	sld [smem:$0x3FB2]  }
0x2e: {  	s3 =	simm.s32 @!p0 $0x1082;
	s9 =	sld [smem:$0x3FB3]  }
0x2f: {  	lr =	sadd.s32 s0, s3;
	s0 =	sld [smem:$0x3FAA]  }
0x30: {  	s3 =	sld [smem:$0x3FAD]  }
0x31: {  	[smem:$0x3FB6] =	sst s10  }
0x32: {  	s10 =	sld [smem:$0x3FB4];
	_ =	sdelay $0x3  }
0x33: {  	p0 =	seq.s32 s10, $0x1;
	s10 =	sld [smem:$0x3FB6];
	_ =	sdelay $0x3  }
0x34: {  	[smem:$0x3FB6] =	sst s10  }
0x35: {  	s10 =	sld [smem:$0x3FB5];
	_ =	sdelay $0x3  }
0x36: {  	p1 =	seq.s32 s10, $0x1;
	s10 =	sld [smem:$0x3FB6];
	_ =	sdelay $0x3  }
0x37: {  	[smem:$0x3FB6] =	sst s10  }
0x38: {  	s10 =	sld [smem:$0x3FB7]  }
0x39: {  	_ = 	snop;
	(pc) =	sbr.ind lr, $3  }
0x3a: {  	_ = 	snop  }
0x3b: {  	_ = 	snop  }
0x3c: {  	p2 =	seq.s32 s10, $0x1;
	s10 =	sld [smem:$0x3FB6]  }
0x3d: {  	_ =	shalt  }
0x3e: {  	_ =	shalt  }
0x3f: {  	_ =	shalt  }
0x40: {  	_ =	shalt  }
0x41: {  	_ =	shalt  }
0x42: {  	_ =	shalt  }
0x43: {  	_ =	shalt  }
0x44: {  	_ =	shalt  }
0x45: {  	_ =	shalt  }
0x46: {  	_ =	shalt  }
0x47: {  	_ =	shalt  }
0x48: {  	_ =	shalt  }
0x49: {  	_ =	shalt  }
0x4a: {  	_ =	shalt  }
0x4b: {  	_ =	shalt  }
0x4c: {  	_ =	shalt  }
0x4d: {  	_ =	shalt  }
0x4e: {  	_ =	shalt  }
0x4f: {  	_ =	shalt  }
0x50: {  	_ =	shalt  }
0x51: {  	_ =	shalt  }
0x52: {  	_ =	shalt  }
0x53: {  	_ =	shalt  }
0x54: {  	_ =	shalt  }
0x55: {  	_ =	shalt  }
0x56: {  	_ =	shalt  }
0x57: {  	_ =	shalt  }
0x58: {  	_ =	shalt  }
0x59: {  	_ =	shalt  }
0x5a: {  	_ =	shalt  }
0x5b: {  	_ =	shalt  }
0x5c: {  	_ =	shalt  }
0x5d: {  	_ =	shalt  }
0x5e: {  	_ =	shalt  }
0x5f: {  	_ =	shalt  }
0x60: {  	_ =	shalt  }
0x61: {  	_ =	shalt  }
0x62: {  	_ =	shalt  }
0x63: {  	_ =	shalt  }
0x64: {  	_ =	shalt  }
0x65: {  	_ =	shalt  }
0x66: {  	_ =	shalt  }
0x67: {  	_ =	shalt  }
0x68: {  	_ =	shalt  }
0x69: {  	_ =	shalt  }
0x6a: {  	_ =	shalt  }
0x6b: {  	_ =	shalt  }
0x6c: {  	_ =	shalt  }
0x6d: {  	_ =	shalt  }
0x6e: {  	_ =	shalt  }
0x6f: {  	_ =	shalt  }
0x70: {  	_ =	shalt  }
0x71: {  	_ =	shalt  }
0x72: {  	_ =	shalt  }
0x73: {  	_ =	shalt  }
0x74: {  	_ =	shalt  }
0x75: {  	_ =	shalt  }
0x76: {  	_ =	shalt  }
0x77: {  	_ =	shalt  }
0x78: {  	_ =	shalt  }
0x79: {  	_ =	shalt  }
0x7a: {  	_ =	shalt  }
0x7b: {  	_ =	shalt  }
0x7c: {  	_ =	shalt  }
0x7d: {  	_ =	shalt  }
0x7e: {  	_ =	shalt  }
0x7f: {  	_ =	shalt  }
0x80: {  	_ =	shalt  }
0x81: {  	_ =	shalt  }
0x82: {  	_ =	shalt  }
0x83: {  	_ =	shalt  }
0x84: {  	_ =	shalt  }
0x85: {  	_ =	shalt  }
0x86: {  	_ =	shalt  }
0x87: {  	_ =	shalt  }
.Lfunc_end0:
.L_simem_size_0:
called_computation_lowered:
.L_overlay_start_0:
0x88: {  	s2 =	sld [smem:$0x3FD9]  }
0x89: {  	s3 =	sld [smem:$0x3FFE];
	_ =	sdelay $0x1  }
0x8a: {  	s1 =	srdreg.scid  }
0x8b: {  	s0 =	sand.u32 $0x1, s1  }
0x8c: {  	s17 =	sshll.u32 s0, $0xA;
	s2 =	sadd.s32 s3, s2  }
0x8d: {  	s2 =	sadd.s32 s2, s17  }
0x8e: {  	[smem:$0x3FC2] =	sst s2  }
0x8f: {  	_ = 	snop  }
0x90: {  	s2 =	sld [smem:$0x3FC8]  }
0x91: {  	s18 =	sld [smem:$0x3FD0];
	(tm) =	ssettm $0x1  }
0x92: {  	s4 =	sld [smem:$0x3FFB];
	_ =	sdelay $0x3  }
0x93: {  	_ =	strace s4  }
0x94: {  	s4 =	sld [smem:$0x3FFC];
	_ =	sdelay $0x3  }
0x95: {  	_ =	strace s4  }
0x96: {  	s4 =	sld [smem:$0x3FFD];
	_ =	sdelay $0x3  }
0x97: {  	_ =	strace s4  }
0x98: {  	_ =	strace $0x8FFFFFFF  }
0x99: {  	s19 =	sld [smem:$0x3FDB];
	_ =	sdelay $0x1  }
0x9a: {  	s5 =	simm.s32 $_scs_section_size  }
0x9b: {  	s6 =	simm.s32 $_size__tile_overlayer_lowered;
	s7 =	simm.s32 $_tile_overlayer_lowered  }
0x9c: {  	s22 =	simm.s32 $0x1BFF;
	s21 =	sshll.u32 s7, $0x1;
	s4 =	sadd.s32 s5, s19  }
0x9d: {  	s8 =	simm.s32 $0x0;
	s20 =	sshll.u32 s6, $0x1;
	s6 =	sadd.s32 s21, s4  }
0x9e: {  	[timem:s8], [sflag:s22] =	dma.local [hbm:s6], s20  }
0x9f: {  	_ =	swait.ge [sflag:s22], s20  }
0xa0: {  	s5 =	ssub.s32 $0x0, s20;
	[sflag:s22] =	ssyncset.done $0x0  }
0xa1: {  	[sflag:s22] =	ssyncadd.s32 s5;
	_ =	sdelay $0x1  }
0xa2: {  	s23 =	simm.s32 $0x1B8B  }
0xa3: {  	_ =	swait.ge [sflag:s23], $0x1  }
0xa4: {  	[sflag:s23] =	ssyncset.done $0x0  }
0xa5: {  	s25 =	simm.s32 $0x1B8E;
	s24 =	sld [smem:$0x3FFE];
	[sflag:s23] =	ssyncadd.s32 $0xFFFFFFFF  }
0xa6: {  	s26 =	simm.s32 $execute0_lowered;
	[smem:$0x3FD2] =	sst s25  }
0xa7: {  	s6 =	sshll.u32 s26, $0x1;
	_ =	strace $0x80000046;
	[dreg:$0x1] =	wrdreg $0xFFFFFFFF  }
0xa8: {  	s28 =	simm.s32 $_size_execute0_lowered;
	s4 =	sadd.s32 s4, s6;
	[dreg:$0x0] =	wrdreg $0x0  }
0xa9: {  	s6 =	sshll.u32 s28, $0x1;
	[dreg:$0x2] =	wrdreg s4  }
0xaa: {  	[dreg:$0x3] =	wrdreg s6  }
0xab: {  	[dreg:$0x4] =	wrdreg $0xC0  }
0xac: {  	_ =	task [dreg:s8], $0x5FFFF  }
0xad: {  	[dreg:$0x1] =	wrdreg $0xFFFFFFFF  }
0xae: {  	[dreg:$0x0] =	wrdreg $0x60  }
0xaf: {  	[dreg:$0x2] =	wrdreg s2  }
0xb0: {  	[dreg:$0x3] =	wrdreg s24  }
0xb1: {  	[dreg:$0x4] =	wrdreg s18  }
0xb2: {  	[dreg:$0x5] =	wrdreg $0x4F800  }
0xb3: {  	[dreg:$0x6] =	wrdreg $0x9  }
0xb4: {  	_ =	task.clear_ibuf [dreg:s8], $0x7FFFF;
	_ =	strace $0x90000046  }
0xb5: {  	s29 =	simm.s32 $0x9;
	_ =	strace $0x80000048  }
0xb6: {  	_ =	swait.ge [sflag:s29], $0x1  }
0xb7: {  	[sflag:s29] =	ssyncadd.s32 $0xFFFFFFFF  }
0xb8: {  	_ =	strace $0x90000048  }
0xb9: {  	_ =	sfence  }
0xba: {  	s30 =	sld [smem:$0x0];
	_ =	sdelay $0x2  }
0xbb: {  	s31 =	sshll.u32 s1, $0xD;
	s1 =	sshrl.u32 s1, $0x2  }
0xbc: {  	s3 =	sand.u32 $0x4000, s31;
	s1 =	sadd.s32 s1, s30  }
0xbd: {  	s0 =	sor.u32 s3, s0;
	s1 =	sshll.u32 s1, $0x11  }
0xbe: {  	s0 =	sor.u32 s1, s0  }
0xbf: {  	s0 =	sadd.s32 $0x8F2B, s0  }
0xc0: {  	[sflag:s0] =	ssyncadd.remote.s32 $0x1  }
0xc1: {  	_ =	sfence.sel $0xFFFF  }
0xc2: {  	[dreg:$0x0] =	wrdreg $0xFFFFFFFF;
	(pc) =	sbr.abs _section_cstart, $3  }
0xc3: {  	[dreg:$0x1] =	wrdreg $0xFFFFFFFF  }
0xc4: {  	_ =	task.clear_ibuf [dreg:s8], $0x2FFFF;
	_ =	strace $0x9FFFFFFF  }
0xc5: {  	(tm) =	ssettm $0x7FFFFFFF  }
tec
execute0_lowered:
.L_overlay_start_1:
0x0: {  	(tag) =	ssettag $0x1  }
0x1: {  	s7 =	rddreg [dreg:$0x0]  }
0x2: {  	s5 =	rddreg [dreg:$0x1]  }
0x3: {  	s8 =	rddreg [dreg:$0x2]  }
0x4: {  	s1 =	rddreg [dreg:$0x3]  }
0x5: {  	s2 =	srdreg.scid;
	s0 =	rddreg [dreg:$0x4];
	s3 =	simm.s32 $0x0  }
0x6: {  	s14 =	simm.s32 $0x80;
	s15 =	simm.s32 $0x1;
	s17 =	simm.s32 $0x10  }
0x7: {  	s18 =	simm.s32 $0x0;
	s6 =	sand.u32 $0x1, s2;
	s2 =	stileid.u32  }
0x8: {  	[smem:$0x7FF] =	sst s3;
	s4 =	sshll.u32 s6, $0x4;
	s12 =	smul.u32 $0x500, s2  }
0x9: {  	_ =	strace $0x80000047;
	s9 =	ssub.s32 $0x2, s6;
	s26 =	smul.u32 $0xA00, s2  }
0xa: {  	s13 =	sshll.u32 s6, $0x7;
	s28 =	sshll.u32 s2, $0x5;
	s31 =	sshll.u32 s2, $0x6  }
0xb: {  	s16 =	sor.u32 s2, s4;
	s4 =	sadd.s32 $0x1A00, s5;
	s11 =	sshrl.u32 s9, $0x1  }
0xc: {  	s5 =	sadd.s32 $0x1800, s5;
	s10 =	smul.u32 $0x9C0, s16;
	s9 =	ssub.s32 s9, s11  }
0xd: {  	s12 =	sor.u32 s13, s12;
	s11 =	sshrl.u32 s26, $0x2;
	s13 =	simm.s32 $0x4F00  }
0xe: {  	p0 =	sgt.u32 s16, $0x3;
	s16 =	simm.s32 $0x20;
	s29 =	sshrl.u32 s12, $0x3  }
0xf: {  	s30 =	sadd.s32 s11, s1;
	s9 =	smax.u32 s9, $0x1;
	s11 =	sor.u32 $0x1C02, s31  }
0x10: {  	s6 =	sadd.s32 s7, s10;
	s7 =	sadd.s32 s28, s7;
	s8 =	sadd.s32 s8, s29  }
0x11: {  	s10 =	simm.s32 $0x2;
	s12 =	sshrl.u32 s30, $0x3;
	s7 =	sadd.s32 $0x13800, s7  }
.LBB2_1:
0x12: {  	[tilespmem:s3], [sflag:$0x2] =	stream.linear.gather [hbm4b:s6+s3], $0x4E00, $0x38;
	[tilespmem:$0x5200] =	vst v63  }
0x13: {  	_ =	swait.ge [sflag:s10], $0x4E00  }
0x14: {  	[sflag:s10] =	ssyncset.done $0x0  }
0x15: {  	[sflag:s10] =	ssyncadd.s32 $0xFFFFB200  }
0x16: {  	[spmem:s12], [sflag:s11] =	dma.local [hbm:s4], $0x50  }
0x17: {  	_ =	swait.ge [sflag:s10], $0x50  }
0x18: {  	[sflag:s10] =	ssyncset.done $0x0  }
0x19: {  	[sflag:s10] =	ssyncadd.s32 $0xFFFFFFB0  }
0x1a: {  	[tilespmem:s13], [sflag:$0x2] =	stream.linear.gather [hbm4b:s5+s3], $0x80, $0x38;
	[tilespmem:$0x5200] =	vst v63  }
0x1b: {  	_ =	swait.ge [sflag:s10], $0x80  }
0x1c: {  	[sflag:s10] =	ssyncset.done $0x0  }
0x1d: {  	[sflag:s10] =	ssyncadd.s32 $0xFFFFFF80  }
0x1e: {  	s19 =	simm.s32 $0x200;
	[bflag:$0x0] =	sbarrier.arrive $0xFFFF  }
.LBB2_2:
0x1f: {  	p1 =	sne.s32 s19, $0x13600  }
.Ltmp0:
0x20: {  	_ = 	snop;
	(pc) =	sbr.rel @p1 .LBB2_2-.Ltmp0, $3  }
0x21: {  	_ =	sdelay $0x1  }
0x22: {  	s20 =	sshra.s32 s19, $0x2;
	s19 =	sadd.s32 $0x400, s19  }
0x23: {  	[spmem:s1] =	stream.indirect.scatter.add.f32 [tilespmem:s13], [sflag:$0x1], $0x1, s20, s14, $0xb8;
	[tilespmem:$0x5200] =	vst v63  }
0x24: {  	_ =	swait.ge [sflag:s15], $0x80  }
0x25: {  	s19 =	simm.s32 $0x4D;
	[sflag:s15] =	ssyncset.done $0x0  }
.LBB2_4:
0x26: {  	p1 =	sne.s32 s19, $0x1;
	s19 =	sadd.s32 $0xFFFFFFFF, s19;
	[sflag:s15] =	ssyncadd.s32 $0xFFFFFF80  }
.Ltmp1:
0x27: {  	(pc) =	sbr.rel @p1 .LBB2_4-.Ltmp1, $3  }
0x28: {  	_ =	sdelay $0x1  }
0x29: {  	_ =	swait.ge [sflag:s15], $0x80  }
0x2a: {  	[sflag:s15] =	ssyncset.done $0x0  }
0x2b: {  	[sflag:s15] =	ssyncadd.s32 $0xFFFFFF80;
	s19 =	simm.s32 @!p0 $0x0;
	s20 =	simm.s32 @!p0 $0x4E00  }
0x2c: {  	[tilespmem:s20], [sflag:$0x2] =	stream.linear.gather @!p0 [hbm4b:s7+s19], $0x100, $0x38;
	[tilespmem:$0x5200] =	vst v63  }
0x2d: {  	s19 =	simm.s32 @!p0 $0x2  }
0x2e: {  	_ =	swait.ge @!p0 [sflag:s19], $0x100  }
0x2f: {  	s21 =	simm.s32 @!p0 $0x4E80;
	[sflag:s19] =	ssyncset.done @!p0 $0x0  }
0x30: {  	s22 =	simm.s32 @!p0 $0x4F00;
	s20 =	simm.s32 @!p0 $0x80;
	[sflag:s19] =	ssyncadd.s32 @!p0 $0xFFFFFF00  }
0x31: {  	[spmem:s1] =	stream.indirect.scatter.add.f32 @!p0 [tilespmem:s22], [sflag:$0x2], $0x1, s21, s20, $0xb8;
	[tilespmem:$0x5200] =	vst v63  }
0x32: {  	_ =	swait.ge @!p0 [sflag:s19], $0x80  }
0x33: {  	s18 =	sadd.s32 $0x1, s18;
	[sflag:s19] =	ssyncset.done @!p0 $0x0  }
0x34: {  	p1 =	sne.s32 s18, s9;
	[sflag:s19] =	ssyncadd.s32 @!p0 $0xFFFFFF80  }
.Ltmp2:
0x35: {  	[bflag:$0x0] =	sbarrier.arrive $0xFFFF;
	(pc) =	sbr.rel @p1 .LBB2_1-.Ltmp2, $4  }
0x36: {  	[hbm:s8@s16], [sflag:s11] =	dma.strided [spmem:s12@s17], $0x50, s15, $0x10   }
0x37: {  	_ =	swait.ge [sflag:s10], $0x50  }
0x38: {  	[sflag:s10] =	ssyncset.done $0x0  }
0x39: {  	[sflag:s10] =	ssyncadd.s32 $0xFFFFFFB0  }
0x3a: {  	_ =	sfence.sel $0x180000  }
0x3b: {  	[bflag:$0x0] =	sbarrier.arrive $0xFFFF  }
0x3c: {  	p0 =	sne.s32 s2, $0x0;
	_ =	strace $0x90000047  }
0x3d: {  	s0 =	sadd.s32 @!p0 $0x100000, s0;
	[bflag:$0x2] =	sbarrier.arrive $0xFFFF  }
0x3e: {  	[sflag:s0] =	ssyncadd.tile.s32 @!p0 $0x1;
	_ =	shalt  }
.Lfunc_end2:
_tile_overlayer_lowered:
.L_overlay_start_2:
0x3f: {  	(tag) =	ssettag $0x2  }
0x40: {  	s0 =	rddreg [dreg:$0x0];
	s2 =	stileid.u32  }
0x41: {  	s1 =	rddreg [dreg:$0x1];
	p0 =	sne.s32 s2, $0x0  }
0x42: {  	s3 =	rddreg [dreg:$0x2];
	[bflag:$0x3] =	sbarrier.arrive $0xFFFF;
	s2 =	simm.s32 @!p0 $0x1C02  }
0x43: {  	[timem:s3], [sflag:s2] =	dma.local @!p0 [hbm:s0], s1  }
0x44: {  	s0 =	simm.s32 @!p0 $0x2  }
0x45: {  	_ =	swait.ge @!p0 [sflag:s0], s1  }
0x46: {  	s1 =	ssub.s32 @!p0 $0x0, s1;
	[sflag:s0] =	ssyncset.done @!p0 $0x0  }
0x47: {  	[sflag:s0] =	ssyncadd.s32 @!p0 s1  }
0x48: {  	[bflag:$0x3] =	sbarrier.arrive $0xFFFF  }
0x49: {  	_ =	shalt  }

</sc_bundles>
